<compile_context>
chip_gen: v7x
topology: tpu7x:2x2x1
jax: 0.10.2.dev20260603
libtpu: 0.0.44.dev20260713+nightly
codegen_flags: <defaults>
</compile_context>

<pallas_src>
import functools
import math

import jax
import jax.numpy as jnp
from jax import lax
from jax.experimental import pallas as pl
from jax.experimental.pallas import tpu as pltpu
from jax.experimental.pallas import tpu_sc as plsc

N_HEAD = 8
N_SPATIAL = 32
N_TEMPORAL = 16
N_TBINS = 2 * N_TEMPORAL + 1
TBL = N_TBINS * N_SPATIAL

_INV_S = 31.0 / math.log(256.0 + 1.0)

_NC = 2
_NS = 16
_LANES = 16
_HG = N_HEAD // _NC


def _idx_kernel(col_ref, row_ref, out_ref):
    tc = col_ref[0, 0, :][None, :]
    yc = col_ref[0, 1, :][None, :]
    xc = col_ref[0, 2, :][None, :]
    tr = row_ref[0, 0, :][:, None]
    yr = row_ref[0, 1, :][:, None]
    xr = row_ref[0, 2, :][:, None]

    dy = yc - yr
    dx = xc - xr
    sq = dy * dy + dx * dx
    spf = jnp.clip(jnp.ceil(jnp.log(sq) * (0.5 * _INV_S)), 0.0,
                   float(N_SPATIAL - 1))

    td = tc - tr
    ftd = jnp.floor(td)
    tmf = ftd + jnp.where(td == ftd, 16.0, 17.0)
    tmf = jnp.clip(tmf, 0.0, float(N_TBINS - 1))

    out_ref[0] = (spf + 32.0 * tmf).astype(jnp.int32)


def _compute_idx(coords, row_block):
    B, N, _ = coords.shape
    tyx = jnp.transpose(coords, (0, 2, 1))
    grid = (B, N // row_block)
    return pl.pallas_call(
        _idx_kernel,
        grid=grid,
        in_specs=[
            pl.BlockSpec((1, 3, N), lambda b, r: (b, 0, 0)),
            pl.BlockSpec((1, 3, row_block), lambda b, r: (b, 0, r)),
        ],
        out_specs=pl.BlockSpec((1, row_block, N), lambda b, r: (b, r, 0)),
        out_shape=jax.ShapeDtypeStruct((B, N, N), jnp.int32),
    )(tyx, tyx)


def _gather_body(n, unroll, idx_hbm, tbl_hbm, out_hbm,
                 tbls, idx0, idx1, out0, out1, semi0, semi1, semo0, semo1):
    cid = lax.axis_index("c")
    sid = lax.axis_index("s")
    n_stripes = n // 8
    shards_per_b = _NS // 2
    b = sid // shards_per_b
    s0 = (sid % shards_per_b) * (n_stripes // shards_per_b)
    n_chunks = (n_stripes // shards_per_b) * 4
    nkk = n_chunks // 2
    h0 = cid * _HG

    for h in range(_HG):
        pltpu.sync_copy(
            tbl_hbm.at[pl.ds((h0 + h) * TBL * _LANES, TBL * _LANES)],
            tbls[h])

    def start_in(k, idxbuf, sem):
        s = s0 + k // 4
        q = k % 4
        pltpu.async_copy(
            idx_hbm.at[b, pl.ds(8 * s, 8), pl.ds(512 * q, 512)], idxbuf, sem)

    def wait_in(idxbuf, sem):
        pltpu.make_async_copy(
            idx_hbm.at[0, pl.ds(0, 8), pl.ds(0, 512)], idxbuf, sem).wait()

    def compute(idxbuf, outbuf):
        @plsc.parallel_loop(0, 4096, _LANES, unroll=unroll)
        def _(j):
            t = j >> 10
            rr = (j >> 7) & 7
            uu = j & 127
            iv = idxbuf[rr, pl.ds(t * 128 + uu, _LANES)]
            ivs = iv * _LANES + lax.iota(jnp.int32, _LANES)
            for h in range(_HG):
                outbuf[h, t, rr, pl.ds(uu, _LANES)] = (
                    plsc.load_gather(tbls[h], [ivs]))

    def start_out(k, outbuf, sem):
        s = s0 + k // 4
        q = k % 4
        for h in range(_HG):
            pltpu.async_copy(outbuf.at[h],
                             out_hbm.at[b, h0 + h, s, pl.ds(4 * q, 4)], sem)

    def wait_out(outbuf, sem):
        for h in range(_HG):
            pltpu.make_async_copy(outbuf.at[h],
                                  out_hbm.at[0, 0, 0, pl.ds(0, 4)],
                                  sem).wait()

    start_in(0, idx0, semi0)
    start_in(1, idx1, semi1)

    def outer(kk, _):
        for ab, idxb, outb, semi, semo in ((0, idx0, out0, semi0, semo0),
                                           (1, idx1, out1, semi1, semo1)):
            k = 2 * kk + ab
            wait_in(idxb, semi)

            @pl.when(kk > 0)
            def _():
                wait_out(outb, semo)

            compute(idxb, outb)
            start_out(k, outb, semo)

            @pl.when(kk < nkk - 1)
            def _():
                start_in(k + 2, idxb, semi)
        return 0

    lax.fori_loop(0, nkk, outer, 0)
    wait_out(out0, semo0)
    wait_out(out1, semo1)


def _gather(idx, tbl_flat, unroll=4):
    B, n, _ = idx.shape
    mesh = plsc.VectorSubcoreMesh(core_axis_name="c", subcore_axis_name="s")
    body = functools.partial(_gather_body, n, unroll)
    return pl.kernel(
        body,
        out_type=jax.ShapeDtypeStruct((B, N_HEAD, n // 8, 16, 8, 128),
                                      jnp.float32),
        mesh=mesh,
        compiler_params=pltpu.CompilerParams(needs_layout_passes=False),
        scratch_types=[
            [pltpu.VMEM((TBL * _LANES,), jnp.float32) for _ in range(_HG)],
            pltpu.VMEM((8, 512), jnp.int32),
            pltpu.VMEM((8, 512), jnp.int32),
            pltpu.VMEM((_HG, 4, 8, 128), jnp.float32),
            pltpu.VMEM((_HG, 4, 8, 128), jnp.float32),
            pltpu.SemaphoreType.DMA,
            pltpu.SemaphoreType.DMA,
            pltpu.SemaphoreType.DMA,
            pltpu.SemaphoreType.DMA,
        ],
    )(idx, tbl_flat)


def kernel(coords, bias, spatial_bins, temporal_bins):
    B, N, _ = coords.shape
    idx = _compute_idx(coords, row_block=512)
    tbl = jnp.broadcast_to(jnp.transpose(bias, (1, 0))[:, :, None],
                           (N_HEAD, TBL, _LANES)).reshape(-1)
    out6 = _gather(idx, tbl)
    out = jnp.transpose(out6, (0, 1, 2, 4, 3, 5)).reshape(B, N_HEAD, N, N)
    return out

# --- scband reference (transcript-rebuilt; emitter-appended) ---
"""Pipeline reference for scband-relative-positional-bias-18098992185511 (READ-ONLY COPY).

The authoritative reference and input builder live on the scoring server;
editing this copy changes nothing except your own understanding.
"""

import jax, jax.numpy as jnp
import numpy as np
import math

N_HEAD = 8
CUT_SPATIAL = 256.0
CUT_TEMPORAL = 16.0
N_SPATIAL = 32
N_TEMPORAL = 16


def setup_inputs(seed: int = 0) -> dict:
    key = jax.random.key(seed)
    k1, k2 = jax.random.split(key)
    coords = jax.random.normal(k1, (2, 2048, 3), dtype=jnp.float32)
    # learned bias parameter: torch init is -0.5 + rand
    bias = -0.5 + jax.random.uniform(k2, ((2 * N_TEMPORAL + 1) * N_SPATIAL, N_HEAD), dtype=jnp.float32)
    # buffers
    spatial_bins = jnp.exp(jnp.linspace(0.0, math.log(CUT_SPATIAL + 1.0), N_SPATIAL)).astype(jnp.float32)
    temporal_bins = jnp.linspace(-CUT_TEMPORAL, CUT_TEMPORAL, 2 * N_TEMPORAL + 1).astype(jnp.float32)
    return {"coords": coords, "bias": bias, "spatial_bins": spatial_bins, "temporal_bins": temporal_bins}


def reference(coords, bias, spatial_bins, temporal_bins):
    # coords: [B, N, 3] -> t = coords[...,0], yx = coords[...,1:]
    t = coords[..., 0]
    yx = coords[..., 1:]
    # temporal pairwise signed distance [B, N, N]
    temporal_dist = t[..., :, None] - t[..., None, :]
    # spatial pairwise euclidean distance (torch.cdist, p=2) [B, N, N]
    diff = yx[:, :, None, :] - yx[:, None, :, :]
    sq = jnp.sum(diff * diff, axis=-1)
    spatial_dist = jnp.sqrt(jnp.maximum(sq, 1e-12))
    # torch.bucketize(right=False) == searchsorted side='left'
    spatial_idx = jnp.searchsorted(spatial_bins, spatial_dist, side='left')
    spatial_idx = jnp.minimum(spatial_idx, spatial_bins.shape[0] - 1)
    temporal_idx = jnp.searchsorted(temporal_bins, temporal_dist, side='left')
    temporal_idx = jnp.minimum(temporal_idx, temporal_bins.shape[0] - 1)
    idx = spatial_idx.reshape(-1) + temporal_idx.reshape(-1) * N_SPATIAL
    b = jnp.take(bias, idx, axis=0).reshape((*spatial_idx.shape, N_HEAD))
    # torch .transpose(-1, 1): [B, N, N, H] -> [B, H, N, N]
    b = jnp.transpose(b, (0, 3, 2, 1))
    return b

if __name__ == "__main__":
    import jax
    _d = setup_inputs()
    print(jax.jit(kernel)(*tuple(_d.values())))

</pallas_src>

<mosaic_0001>
#map = affine_map<(d0, d1) -> (0, 0, 0)>
#map1 = affine_map<(d0, d1) -> (0)>
#map2 = affine_map<(d0, d1) -> (0, 0, 0, 0, 0, 0)>
module attributes {stable_mosaic.version = 14 : i64} {
  func.func @_gather_body(%arg0: i32, %arg1: i32, %arg2: memref<2x2048x2048xi32, #tpu.memory_space<hbm>>, %arg3: memref<135168xf32, #tpu.memory_space<hbm>>, %arg4: memref<2x8x256x16x8x128xf32, #tpu.memory_space<hbm>>, %arg5: memref<16896xf32, #tpu.memory_space<vmem>>, %arg6: memref<16896xf32, #tpu.memory_space<vmem>>, %arg7: memref<16896xf32, #tpu.memory_space<vmem>>, %arg8: memref<16896xf32, #tpu.memory_space<vmem>>, %arg9: memref<8x512xi32, #tpu.memory_space<vmem>>, %arg10: memref<8x512xi32, #tpu.memory_space<vmem>>, %arg11: memref<4x4x8x128xf32, #tpu.memory_space<vmem>>, %arg12: memref<4x4x8x128xf32, #tpu.memory_space<vmem>>, %arg13: memref<!tpu.dma_semaphore, #tpu.memory_space<semaphore_mem>>, %arg14: memref<!tpu.dma_semaphore, #tpu.memory_space<semaphore_mem>>, %arg15: memref<!tpu.dma_semaphore, #tpu.memory_space<semaphore_mem>>, %arg16: memref<!tpu.dma_semaphore, #tpu.memory_space<semaphore_mem>>) attributes {dimension_semantics = [#tpu.dimension_semantics<core_parallel>, #tpu.dimension_semantics<subcore_parallel>], iteration_bounds = array<i64: 2, 16>, scalar_prefetch = 0 : i64, scratch_operands = 12 : i64, tpu.core_type = #tpu.core_type<sc_vector_subcore>, window_params = [{transform_indices = #map}, {transform_indices = #map1}, {transform_indices = #map2}]} {
    %jit3A = arith.constant 8 : i32
    %div3A = arith.divsi %arg1, %jit3A : i32
    %sign3A = arith.constant 0 : i32
    %sign3A_0 = arith.cmpi sgt, %arg1, %sign3A : i32
    %sign3A_1 = arith.extui %sign3A_0 : i1 to i32
    %sign3A_2 = arith.constant 0 : i32
    %sign3A_3 = arith.cmpi slt, %arg1, %sign3A_2 : i32
    %sign3A_4 = arith.extui %sign3A_3 : i1 to i32
    %sign3A_5 = arith.subi %sign3A_1, %sign3A_4 : i32
    %sign3A_6 = arith.constant 0 : i32
    %sign3A_7 = arith.cmpi sgt, %jit3A, %sign3A_6 : i32
    %sign3A_8 = arith.extui %sign3A_7 : i1 to i32
    %sign3A_9 = arith.constant 0 : i32
    %sign3A_10 = arith.cmpi slt, %jit3A, %sign3A_9 : i32
    %sign3A_11 = arith.extui %sign3A_10 : i1 to i32
    %sign3A_12 = arith.subi %sign3A_8, %sign3A_11 : i32
    %ne3A = arith.cmpi ne, %sign3A_5, %sign3A_12 : i32
    %rem3A = arith.remsi %arg1, %jit3A : i32
    %ne3A_13 = arith.constant 0 : i32
    %ne3A_14 = arith.cmpi ne, %rem3A, %ne3A_13 : i32
    %and3A = arith.andi %ne3A, %ne3A_14 : i1
    %sub3A = arith.constant 1 : i32
    %sub3A_15 = arith.subi %div3A, %sub3A : i32
    %select_n3A = arith.select %and3A, %sub3A_15, %div3A : i32
    %jit3A_16 = arith.constant 8 : i32
    %eq3A = arith.constant 0 : i32
    %eq3A_17 = arith.cmpi eq, %jit3A_16, %eq3A : i32
    %jit3A_18 = arith.constant 1 : i32
    %select_n3A_19 = arith.select %eq3A_17, %jit3A_18, %jit3A_16 : i32
    %rem3A_20 = arith.remsi %arg1, %select_n3A_19 : i32
    %ne3A_21 = arith.constant 0 : i32
    %ne3A_22 = arith.cmpi ne, %rem3A_20, %ne3A_21 : i32
    %lt3A = arith.constant 0 : i32
    %lt3A_23 = arith.cmpi slt, %rem3A_20, %lt3A : i32
    %lt3A_24 = arith.constant 0 : i32
    %lt3A_25 = arith.cmpi slt, %select_n3A_19, %lt3A_24 : i32
    %ne3A_26 = arith.xori %lt3A_23, %lt3A_25 : i1
    %and3A_27 = arith.andi %ne3A_26, %ne3A_22 : i1
    %add3A = arith.addi %rem3A_20, %select_n3A_19 : i32
    %select_n3A_28 = arith.select %and3A_27, %add3A, %rem3A_20 : i32
    %mul3A = arith.constant 32 : i32
    %mul3A_29 = arith.muli %select_n3A_28, %mul3A : i32
    %mul3A_30 = arith.constant 4 : i32
    %mul3A_31 = arith.muli %arg0, %mul3A_30 : i32
    %add3A_32 = arith.constant 0 : i32
    %add3A_33 = arith.addi %mul3A_31, %add3A_32 : i32
    %mul3A_34 = arith.constant 1056 : i32
    %mul3A_35 = arith.muli %add3A_33, %mul3A_34 : i32
    %mul3A_36 = arith.constant 16 : i32
    %mul3A_37 = arith.muli %mul3A_35, %mul3A_36 : i32
    "tpu.region"() ({
      %run_scoped3A = tpu.sem_alloc : memref<!tpu.dma_semaphore, #tpu.memory_space<semaphore_mem>>
      %dma_start3A_272 = tpu.memref_slice %arg3[%mul3A_37] : memref<135168xf32, #tpu.memory_space<hbm>> -> memref<16896xf32, #tpu.memory_space<hbm>>
      %dma_start3A_273 = tpu.memref_slice %arg3[%mul3A_37] : memref<135168xf32, #tpu.memory_space<hbm>> -> memref<16896xf32, #tpu.memory_space<hbm>>
      tpu.enqueue_dma source(%dma_start3A_273 : memref<16896xf32, #tpu.memory_space<hbm>>) target(%arg5 : memref<16896xf32, #tpu.memory_space<vmem>>) target_semaphore(%run_scoped3A : memref<!tpu.dma_semaphore, #tpu.memory_space<semaphore_mem>>)
      %dma_wait3A_274 = tpu.memref_slice %arg3[%mul3A_37] : memref<135168xf32, #tpu.memory_space<hbm>> -> memref<16896xf32, #tpu.memory_space<hbm>>
      %dma_wait3A_275 = tpu.memref_slice %arg3[%mul3A_37] : memref<135168xf32, #tpu.memory_space<hbm>> -> memref<16896xf32, #tpu.memory_space<hbm>>
      tpu.wait_dma2 semaphore(%run_scoped3A : memref<!tpu.dma_semaphore, #tpu.memory_space<semaphore_mem>>) src(%dma_wait3A_275 : memref<16896xf32, #tpu.memory_space<hbm>>) dst(%arg5 : memref<16896xf32, #tpu.memory_space<vmem>>)
      tpu.yield
    }) : () -> ()
    %add3A_38 = arith.constant 1 : i32
    %add3A_39 = arith.addi %mul3A_31, %add3A_38 : i32
    %mul3A_40 = arith.constant 1056 : i32
    %mul3A_41 = arith.muli %add3A_39, %mul3A_40 : i32
    %mul3A_42 = arith.constant 16 : i32
    %mul3A_43 = arith.muli %mul3A_41, %mul3A_42 : i32
    "tpu.region"() ({
      %run_scoped3A = tpu.sem_alloc : memref<!tpu.dma_semaphore, #tpu.memory_space<semaphore_mem>>
      %dma_start3A_272 = tpu.memref_slice %arg3[%mul3A_43] : memref<135168xf32, #tpu.memory_space<hbm>> -> memref<16896xf32, #tpu.memory_space<hbm>>
      %dma_start3A_273 = tpu.memref_slice %arg3[%mul3A_43] : memref<135168xf32, #tpu.memory_space<hbm>> -> memref<16896xf32, #tpu.memory_space<hbm>>
      tpu.enqueue_dma source(%dma_start3A_273 : memref<16896xf32, #tpu.memory_space<hbm>>) target(%arg6 : memref<16896xf32, #tpu.memory_space<vmem>>) target_semaphore(%run_scoped3A : memref<!tpu.dma_semaphore, #tpu.memory_space<semaphore_mem>>)
      %dma_wait3A_274 = tpu.memref_slice %arg3[%mul3A_43] : memref<135168xf32, #tpu.memory_space<hbm>> -> memref<16896xf32, #tpu.memory_space<hbm>>
      %dma_wait3A_275 = tpu.memref_slice %arg3[%mul3A_43] : memref<135168xf32, #tpu.memory_space<hbm>> -> memref<16896xf32, #tpu.memory_space<hbm>>
      tpu.wait_dma2 semaphore(%run_scoped3A : memref<!tpu.dma_semaphore, #tpu.memory_space<semaphore_mem>>) src(%dma_wait3A_275 : memref<16896xf32, #tpu.memory_space<hbm>>) dst(%arg6 : memref<16896xf32, #tpu.memory_space<vmem>>)
      tpu.yield
    }) : () -> ()
    %add3A_44 = arith.constant 2 : i32
    %add3A_45 = arith.addi %mul3A_31, %add3A_44 : i32
    %mul3A_46 = arith.constant 1056 : i32
    %mul3A_47 = arith.muli %add3A_45, %mul3A_46 : i32
    %mul3A_48 = arith.constant 16 : i32
    %mul3A_49 = arith.muli %mul3A_47, %mul3A_48 : i32
    "tpu.region"() ({
      %run_scoped3A = tpu.sem_alloc : memref<!tpu.dma_semaphore, #tpu.memory_space<semaphore_mem>>
      %dma_start3A_272 = tpu.memref_slice %arg3[%mul3A_49] : memref<135168xf32, #tpu.memory_space<hbm>> -> memref<16896xf32, #tpu.memory_space<hbm>>
      %dma_start3A_273 = tpu.memref_slice %arg3[%mul3A_49] : memref<135168xf32, #tpu.memory_space<hbm>> -> memref<16896xf32, #tpu.memory_space<hbm>>
      tpu.enqueue_dma source(%dma_start3A_273 : memref<16896xf32, #tpu.memory_space<hbm>>) target(%arg7 : memref<16896xf32, #tpu.memory_space<vmem>>) target_semaphore(%run_scoped3A : memref<!tpu.dma_semaphore, #tpu.memory_space<semaphore_mem>>)
      %dma_wait3A_274 = tpu.memref_slice %arg3[%mul3A_49] : memref<135168xf32, #tpu.memory_space<hbm>> -> memref<16896xf32, #tpu.memory_space<hbm>>
      %dma_wait3A_275 = tpu.memref_slice %arg3[%mul3A_49] : memref<135168xf32, #tpu.memory_space<hbm>> -> memref<16896xf32, #tpu.memory_space<hbm>>
      tpu.wait_dma2 semaphore(%run_scoped3A : memref<!tpu.dma_semaphore, #tpu.memory_space<semaphore_mem>>) src(%dma_wait3A_275 : memref<16896xf32, #tpu.memory_space<hbm>>) dst(%arg7 : memref<16896xf32, #tpu.memory_space<vmem>>)
      tpu.yield
    }) : () -> ()
    %add3A_50 = arith.constant 3 : i32
    %add3A_51 = arith.addi %mul3A_31, %add3A_50 : i32
    %mul3A_52 = arith.constant 1056 : i32
    %mul3A_53 = arith.muli %add3A_51, %mul3A_52 : i32
    %mul3A_54 = arith.constant 16 : i32
    %mul3A_55 = arith.muli %mul3A_53, %mul3A_54 : i32
    "tpu.region"() ({
      %run_scoped3A = tpu.sem_alloc : memref<!tpu.dma_semaphore, #tpu.memory_space<semaphore_mem>>
      %dma_start3A_272 = tpu.memref_slice %arg3[%mul3A_55] : memref<135168xf32, #tpu.memory_space<hbm>> -> memref<16896xf32, #tpu.memory_space<hbm>>
      %dma_start3A_273 = tpu.memref_slice %arg3[%mul3A_55] : memref<135168xf32, #tpu.memory_space<hbm>> -> memref<16896xf32, #tpu.memory_space<hbm>>
      tpu.enqueue_dma source(%dma_start3A_273 : memref<16896xf32, #tpu.memory_space<hbm>>) target(%arg8 : memref<16896xf32, #tpu.memory_space<vmem>>) target_semaphore(%run_scoped3A : memref<!tpu.dma_semaphore, #tpu.memory_space<semaphore_mem>>)
      %dma_wait3A_274 = tpu.memref_slice %arg3[%mul3A_55] : memref<135168xf32, #tpu.memory_space<hbm>> -> memref<16896xf32, #tpu.memory_space<hbm>>
      %dma_wait3A_275 = tpu.memref_slice %arg3[%mul3A_55] : memref<135168xf32, #tpu.memory_space<hbm>> -> memref<16896xf32, #tpu.memory_space<hbm>>
      tpu.wait_dma2 semaphore(%run_scoped3A : memref<!tpu.dma_semaphore, #tpu.memory_space<semaphore_mem>>) src(%dma_wait3A_275 : memref<16896xf32, #tpu.memory_space<hbm>>) dst(%arg8 : memref<16896xf32, #tpu.memory_space<vmem>>)
      tpu.yield
    }) : () -> ()
    %add3A_56 = arith.constant 0 : i32
    %add3A_57 = arith.addi %mul3A_29, %add3A_56 : i32
    %mul3A_58 = arith.constant 8 : i32
    %mul3A_59 = arith.muli %mul3A_58, %add3A_57 : i32
    %dma_start3A = arith.constant 0 : i32
    %dma_start3A_60 = tpu.memref_slice %arg2[%select_n3A, %mul3A_59, %dma_start3A] : memref<2x2048x2048xi32, #tpu.memory_space<hbm>> -> memref<1x8x512xi32, #tpu.memory_space<hbm>>
    %dma_start3A_61 = tpu.memref_squeeze %dma_start3A_60 : memref<1x8x512xi32, #tpu.memory_space<hbm>> -> memref<8x512xi32, #tpu.memory_space<hbm>>
    %dma_start3A_62 = arith.constant 0 : i32
    %dma_start3A_63 = tpu.memref_slice %arg2[%select_n3A, %mul3A_59, %dma_start3A_62] : memref<2x2048x2048xi32, #tpu.memory_space<hbm>> -> memref<1x8x512xi32, #tpu.memory_space<hbm>>
    %dma_start3A_64 = tpu.memref_squeeze %dma_start3A_63 : memref<1x8x512xi32, #tpu.memory_space<hbm>> -> memref<8x512xi32, #tpu.memory_space<hbm>>
    tpu.enqueue_dma source(%dma_start3A_64 : memref<8x512xi32, #tpu.memory_space<hbm>>) target(%arg9 : memref<8x512xi32, #tpu.memory_space<vmem>>) target_semaphore(%arg13 : memref<!tpu.dma_semaphore, #tpu.memory_space<semaphore_mem>>)
    %add3A_65 = arith.constant 0 : i32
    %add3A_66 = arith.addi %mul3A_29, %add3A_65 : i32
    %mul3A_67 = arith.constant 8 : i32
    %mul3A_68 = arith.muli %mul3A_67, %add3A_66 : i32
    %dma_start3A_69 = arith.constant 512 : i32
    %dma_start3A_70 = tpu.memref_slice %arg2[%select_n3A, %mul3A_68, %dma_start3A_69] : memref<2x2048x2048xi32, #tpu.memory_space<hbm>> -> memref<1x8x512xi32, #tpu.memory_space<hbm>>
    %dma_start3A_71 = tpu.memref_squeeze %dma_start3A_70 : memref<1x8x512xi32, #tpu.memory_space<hbm>> -> memref<8x512xi32, #tpu.memory_space<hbm>>
    %dma_start3A_72 = arith.constant 512 : i32
    %dma_start3A_73 = tpu.memref_slice %arg2[%select_n3A, %mul3A_68, %dma_start3A_72] : memref<2x2048x2048xi32, #tpu.memory_space<hbm>> -> memref<1x8x512xi32, #tpu.memory_space<hbm>>
    %dma_start3A_74 = tpu.memref_squeeze %dma_start3A_73 : memref<1x8x512xi32, #tpu.memory_space<hbm>> -> memref<8x512xi32, #tpu.memory_space<hbm>>
    tpu.enqueue_dma source(%dma_start3A_74 : memref<8x512xi32, #tpu.memory_space<hbm>>) target(%arg10 : memref<8x512xi32, #tpu.memory_space<vmem>>) target_semaphore(%arg14 : memref<!tpu.dma_semaphore, #tpu.memory_space<semaphore_mem>>)
    %scan3A = arith.constant 0 : i32
    %scan3A_75 = arith.constant 0 : i32
    %scan3A_76 = arith.constant 64 : i32
    %scan3A_77 = arith.addi %scan3A_75, %scan3A_76 : i32
    %scan3A_78 = arith.constant 1 : i32
    %scan3A_79 = scf.for %scan3A_272 = %scan3A_75 to %scan3A_77 step %scan3A_78 iter_args(%scan3A_273 = %scan3A) -> (i32)  : i32 {
      %mul3A_274 = arith.constant 2 : i32
      %mul3A_275 = arith.muli %mul3A_274, %scan3A_272 : i32
      %add3A_276 = arith.constant 0 : i32
      %add3A_277 = arith.addi %mul3A_275, %add3A_276 : i32
      %dma_wait3A_278 = arith.constant 0 : i32
      %dma_wait3A_279 = arith.constant 0 : i32
      %dma_wait3A_280 = arith.constant 0 : i32
      %dma_wait3A_281 = tpu.memref_slice %arg2[%dma_wait3A_278, %dma_wait3A_279, %dma_wait3A_280] : memref<2x2048x2048xi32, #tpu.memory_space<hbm>> -> memref<1x8x512xi32, #tpu.memory_space<hbm>>
      %dma_wait3A_282 = tpu.memref_squeeze %dma_wait3A_281 : memref<1x8x512xi32, #tpu.memory_space<hbm>> -> memref<8x512xi32, #tpu.memory_space<hbm>>
      %dma_wait3A_283 = arith.constant 0 : i32
      %dma_wait3A_284 = arith.constant 0 : i32
      %dma_wait3A_285 = tpu.memref_slice %arg2[%dma_wait3A_278, %dma_wait3A_283, %dma_wait3A_284] : memref<2x2048x2048xi32, #tpu.memory_space<hbm>> -> memref<1x8x512xi32, #tpu.memory_space<hbm>>
      %dma_wait3A_286 = tpu.memref_squeeze %dma_wait3A_285 : memref<1x8x512xi32, #tpu.memory_space<hbm>> -> memref<8x512xi32, #tpu.memory_space<hbm>>
      tpu.wait_dma2 semaphore(%arg13 : memref<!tpu.dma_semaphore, #tpu.memory_space<semaphore_mem>>) src(%dma_wait3A_286 : memref<8x512xi32, #tpu.memory_space<hbm>>) dst(%arg9 : memref<8x512xi32, #tpu.memory_space<vmem>>)
      %gt3A = arith.constant 0 : i32
      %gt3A_287 = arith.cmpi sgt, %scan3A_272, %gt3A : i32
      %convert_element_type3A = arith.extui %gt3A_287 : i1 to i32
      %cond3A = arith.constant 0 : i32
      %cond3A_288 = arith.cmpi ne, %convert_element_type3A, %cond3A : i32
      scf.if %cond3A_288 {
        %dma_wait3A_589 = arith.constant 0 : i32
        %dma_wait3A_590 = arith.constant 0 : i32
        %dma_wait3A_591 = arith.constant 0 : i32
        %dma_wait3A_592 = arith.constant 0 : i32
        %dma_wait3A_593 = arith.constant 0 : i32
        %dma_wait3A_594 = arith.constant 0 : i32
        %dma_wait3A_595 = arith.constant 0 : i32
        %dma_wait3A_596 = tpu.memref_slice %arg11[%dma_wait3A_589, %dma_wait3A_593, %dma_wait3A_594, %dma_wait3A_595] : memref<4x4x8x128xf32, #tpu.memory_space<vmem>> -> memref<1x4x8x128xf32, #tpu.memory_space<vmem>>
        %dma_wait3A_597 = tpu.memref_squeeze %dma_wait3A_596 : memref<1x4x8x128xf32, #tpu.memory_space<vmem>> -> memref<4x8x128xf32, #tpu.memory_space<vmem>>
        %dma_wait3A_598 = arith.constant 0 : i32
        %dma_wait3A_599 = arith.constant 0 : i32
        %dma_wait3A_600 = arith.constant 0 : i32
        %dma_wait3A_601 = tpu.memref_slice %arg4[%dma_wait3A_590, %dma_wait3A_591, %dma_wait3A_592, %dma_wait3A_598, %dma_wait3A_599, %dma_wait3A_600] : memref<2x8x256x16x8x128xf32, #tpu.memory_space<hbm>> -> memref<1x1x1x4x8x128xf32, #tpu.memory_space<hbm>>
        %dma_wait3A_602 = tpu.memref_squeeze %dma_wait3A_601 : memref<1x1x1x4x8x128xf32, #tpu.memory_space<hbm>> -> memref<4x8x128xf32, #tpu.memory_space<hbm>>
        %dma_wait3A_603 = arith.constant 0 : i32
        %dma_wait3A_604 = arith.constant 0 : i32
        %dma_wait3A_605 = arith.constant 0 : i32
        %dma_wait3A_606 = tpu.memref_slice %arg4[%dma_wait3A_590, %dma_wait3A_591, %dma_wait3A_592, %dma_wait3A_603, %dma_wait3A_604, %dma_wait3A_605] : memref<2x8x256x16x8x128xf32, #tpu.memory_space<hbm>> -> memref<1x1x1x4x8x128xf32, #tpu.memory_space<hbm>>
        %dma_wait3A_607 = tpu.memref_squeeze %dma_wait3A_606 : memref<1x1x1x4x8x128xf32, #tpu.memory_space<hbm>> -> memref<4x8x128xf32, #tpu.memory_space<hbm>>
        %dma_wait3A_608 = arith.constant 0 : i32
        %dma_wait3A_609 = arith.constant 0 : i32
        %dma_wait3A_610 = arith.constant 0 : i32
        %dma_wait3A_611 = tpu.memref_slice %arg11[%dma_wait3A_589, %dma_wait3A_608, %dma_wait3A_609, %dma_wait3A_610] : memref<4x4x8x128xf32, #tpu.memory_space<vmem>> -> memref<1x4x8x128xf32, #tpu.memory_space<vmem>>
        %dma_wait3A_612 = tpu.memref_squeeze %dma_wait3A_611 : memref<1x4x8x128xf32, #tpu.memory_space<vmem>> -> memref<4x8x128xf32, #tpu.memory_space<vmem>>
        tpu.wait_dma2 semaphore(%arg15 : memref<!tpu.dma_semaphore, #tpu.memory_space<semaphore_mem>>) src(%dma_wait3A_612 : memref<4x8x128xf32, #tpu.memory_space<vmem>>) dst(%dma_wait3A_607 : memref<4x8x128xf32, #tpu.memory_space<hbm>>)
        %dma_wait3A_613 = arith.constant 1 : i32
        %dma_wait3A_614 = arith.constant 0 : i32
        %dma_wait3A_615 = arith.constant 0 : i32
        %dma_wait3A_616 = arith.constant 0 : i32
        %dma_wait3A_617 = arith.constant 0 : i32
        %dma_wait3A_618 = arith.constant 0 : i32
        %dma_wait3A_619 = arith.constant 0 : i32
        %dma_wait3A_620 = tpu.memref_slice %arg11[%dma_wait3A_613, %dma_wait3A_617, %dma_wait3A_618, %dma_wait3A_619] : memref<4x4x8x128xf32, #tpu.memory_space<vmem>> -> memref<1x4x8x128xf32, #tpu.memory_space<vmem>>
        %dma_wait3A_621 = tpu.memref_squeeze %dma_wait3A_620 : memref<1x4x8x128xf32, #tpu.memory_space<vmem>> -> memref<4x8x128xf32, #tpu.memory_space<vmem>>
        %dma_wait3A_622 = arith.constant 0 : i32
        %dma_wait3A_623 = arith.constant 0 : i32
        %dma_wait3A_624 = arith.constant 0 : i32
        %dma_wait3A_625 = tpu.memref_slice %arg4[%dma_wait3A_614, %dma_wait3A_615, %dma_wait3A_616, %dma_wait3A_622, %dma_wait3A_623, %dma_wait3A_624] : memref<2x8x256x16x8x128xf32, #tpu.memory_space<hbm>> -> memref<1x1x1x4x8x128xf32, #tpu.memory_space<hbm>>
        %dma_wait3A_626 = tpu.memref_squeeze %dma_wait3A_625 : memref<1x1x1x4x8x128xf32, #tpu.memory_space<hbm>> -> memref<4x8x128xf32, #tpu.memory_space<hbm>>
        %dma_wait3A_627 = arith.constant 0 : i32
        %dma_wait3A_628 = arith.constant 0 : i32
        %dma_wait3A_629 = arith.constant 0 : i32
        %dma_wait3A_630 = tpu.memref_slice %arg4[%dma_wait3A_614, %dma_wait3A_615, %dma_wait3A_616, %dma_wait3A_627, %dma_wait3A_628, %dma_wait3A_629] : memref<2x8x256x16x8x128xf32, #tpu.memory_space<hbm>> -> memref<1x1x1x4x8x128xf32, #tpu.memory_space<hbm>>
        %dma_wait3A_631 = tpu.memref_squeeze %dma_wait3A_630 : memref<1x1x1x4x8x128xf32, #tpu.memory_space<hbm>> -> memref<4x8x128xf32, #tpu.memory_space<hbm>>
        %dma_wait3A_632 = arith.constant 0 : i32
        %dma_wait3A_633 = arith.constant 0 : i32
        %dma_wait3A_634 = arith.constant 0 : i32
        %dma_wait3A_635 = tpu.memref_slice %arg11[%dma_wait3A_613, %dma_wait3A_632, %dma_wait3A_633, %dma_wait3A_634] : memref<4x4x8x128xf32, #tpu.memory_space<vmem>> -> memref<1x4x8x128xf32, #tpu.memory_space<vmem>>
        %dma_wait3A_636 = tpu.memref_squeeze %dma_wait3A_635 : memref<1x4x8x128xf32, #tpu.memory_space<vmem>> -> memref<4x8x128xf32, #tpu.memory_space<vmem>>
        tpu.wait_dma2 semaphore(%arg15 : memref<!tpu.dma_semaphore, #tpu.memory_space<semaphore_mem>>) src(%dma_wait3A_636 : memref<4x8x128xf32, #tpu.memory_space<vmem>>) dst(%dma_wait3A_631 : memref<4x8x128xf32, #tpu.memory_space<hbm>>)
        %dma_wait3A_637 = arith.constant 2 : i32
        %dma_wait3A_638 = arith.constant 0 : i32
        %dma_wait3A_639 = arith.constant 0 : i32
        %dma_wait3A_640 = arith.constant 0 : i32
        %dma_wait3A_641 = arith.constant 0 : i32
        %dma_wait3A_642 = arith.constant 0 : i32
        %dma_wait3A_643 = arith.constant 0 : i32
        %dma_wait3A_644 = tpu.memref_slice %arg11[%dma_wait3A_637, %dma_wait3A_641, %dma_wait3A_642, %dma_wait3A_643] : memref<4x4x8x128xf32, #tpu.memory_space<vmem>> -> memref<1x4x8x128xf32, #tpu.memory_space<vmem>>
        %dma_wait3A_645 = tpu.memref_squeeze %dma_wait3A_644 : memref<1x4x8x128xf32, #tpu.memory_space<vmem>> -> memref<4x8x128xf32, #tpu.memory_space<vmem>>
        %dma_wait3A_646 = arith.constant 0 : i32
        %dma_wait3A_647 = arith.constant 0 : i32
        %dma_wait3A_648 = arith.constant 0 : i32
        %dma_wait3A_649 = tpu.memref_slice %arg4[%dma_wait3A_638, %dma_wait3A_639, %dma_wait3A_640, %dma_wait3A_646, %dma_wait3A_647, %dma_wait3A_648] : memref<2x8x256x16x8x128xf32, #tpu.memory_space<hbm>> -> memref<1x1x1x4x8x128xf32, #tpu.memory_space<hbm>>
        %dma_wait3A_650 = tpu.memref_squeeze %dma_wait3A_649 : memref<1x1x1x4x8x128xf32, #tpu.memory_space<hbm>> -> memref<4x8x128xf32, #tpu.memory_space<hbm>>
        %dma_wait3A_651 = arith.constant 0 : i32
        %dma_wait3A_652 = arith.constant 0 : i32
        %dma_wait3A_653 = arith.constant 0 : i32
        %dma_wait3A_654 = tpu.memref_slice %arg4[%dma_wait3A_638, %dma_wait3A_639, %dma_wait3A_640, %dma_wait3A_651, %dma_wait3A_652, %dma_wait3A_653] : memref<2x8x256x16x8x128xf32, #tpu.memory_space<hbm>> -> memref<1x1x1x4x8x128xf32, #tpu.memory_space<hbm>>
        %dma_wait3A_655 = tpu.memref_squeeze %dma_wait3A_654 : memref<1x1x1x4x8x128xf32, #tpu.memory_space<hbm>> -> memref<4x8x128xf32, #tpu.memory_space<hbm>>
        %dma_wait3A_656 = arith.constant 0 : i32
        %dma_wait3A_657 = arith.constant 0 : i32
        %dma_wait3A_658 = arith.constant 0 : i32
        %dma_wait3A_659 = tpu.memref_slice %arg11[%dma_wait3A_637, %dma_wait3A_656, %dma_wait3A_657, %dma_wait3A_658] : memref<4x4x8x128xf32, #tpu.memory_space<vmem>> -> memref<1x4x8x128xf32, #tpu.memory_space<vmem>>
        %dma_wait3A_660 = tpu.memref_squeeze %dma_wait3A_659 : memref<1x4x8x128xf32, #tpu.memory_space<vmem>> -> memref<4x8x128xf32, #tpu.memory_space<vmem>>
        tpu.wait_dma2 semaphore(%arg15 : memref<!tpu.dma_semaphore, #tpu.memory_space<semaphore_mem>>) src(%dma_wait3A_660 : memref<4x8x128xf32, #tpu.memory_space<vmem>>) dst(%dma_wait3A_655 : memref<4x8x128xf32, #tpu.memory_space<hbm>>)
        %dma_wait3A_661 = arith.constant 3 : i32
        %dma_wait3A_662 = arith.constant 0 : i32
        %dma_wait3A_663 = arith.constant 0 : i32
        %dma_wait3A_664 = arith.constant 0 : i32
        %dma_wait3A_665 = arith.constant 0 : i32
        %dma_wait3A_666 = arith.constant 0 : i32
        %dma_wait3A_667 = arith.constant 0 : i32
        %dma_wait3A_668 = tpu.memref_slice %arg11[%dma_wait3A_661, %dma_wait3A_665, %dma_wait3A_666, %dma_wait3A_667] : memref<4x4x8x128xf32, #tpu.memory_space<vmem>> -> memref<1x4x8x128xf32, #tpu.memory_space<vmem>>
        %dma_wait3A_669 = tpu.memref_squeeze %dma_wait3A_668 : memref<1x4x8x128xf32, #tpu.memory_space<vmem>> -> memref<4x8x128xf32, #tpu.memory_space<vmem>>
        %dma_wait3A_670 = arith.constant 0 : i32
        %dma_wait3A_671 = arith.constant 0 : i32
        %dma_wait3A_672 = arith.constant 0 : i32
        %dma_wait3A_673 = tpu.memref_slice %arg4[%dma_wait3A_662, %dma_wait3A_663, %dma_wait3A_664, %dma_wait3A_670, %dma_wait3A_671, %dma_wait3A_672] : memref<2x8x256x16x8x128xf32, #tpu.memory_space<hbm>> -> memref<1x1x1x4x8x128xf32, #tpu.memory_space<hbm>>
        %dma_wait3A_674 = tpu.memref_squeeze %dma_wait3A_673 : memref<1x1x1x4x8x128xf32, #tpu.memory_space<hbm>> -> memref<4x8x128xf32, #tpu.memory_space<hbm>>
        %dma_wait3A_675 = arith.constant 0 : i32
        %dma_wait3A_676 = arith.constant 0 : i32
        %dma_wait3A_677 = arith.constant 0 : i32
        %dma_wait3A_678 = tpu.memref_slice %arg4[%dma_wait3A_662, %dma_wait3A_663, %dma_wait3A_664, %dma_wait3A_675, %dma_wait3A_676, %dma_wait3A_677] : memref<2x8x256x16x8x128xf32, #tpu.memory_space<hbm>> -> memref<1x1x1x4x8x128xf32, #tpu.memory_space<hbm>>
        %dma_wait3A_679 = tpu.memref_squeeze %dma_wait3A_678 : memref<1x1x1x4x8x128xf32, #tpu.memory_space<hbm>> -> memref<4x8x128xf32, #tpu.memory_space<hbm>>
        %dma_wait3A_680 = arith.constant 0 : i32
        %dma_wait3A_681 = arith.constant 0 : i32
        %dma_wait3A_682 = arith.constant 0 : i32
        %dma_wait3A_683 = tpu.memref_slice %arg11[%dma_wait3A_661, %dma_wait3A_680, %dma_wait3A_681, %dma_wait3A_682] : memref<4x4x8x128xf32, #tpu.memory_space<vmem>> -> memref<1x4x8x128xf32, #tpu.memory_space<vmem>>
        %dma_wait3A_684 = tpu.memref_squeeze %dma_wait3A_683 : memref<1x4x8x128xf32, #tpu.memory_space<vmem>> -> memref<4x8x128xf32, #tpu.memory_space<vmem>>
        tpu.wait_dma2 semaphore(%arg15 : memref<!tpu.dma_semaphore, #tpu.memory_space<semaphore_mem>>) src(%dma_wait3A_684 : memref<4x8x128xf32, #tpu.memory_space<vmem>>) dst(%dma_wait3A_679 : memref<4x8x128xf32, #tpu.memory_space<hbm>>)
      } else {
      }
      %parallel_loop3A = arith.constant 0 : i32
      %parallel_loop3A_289 = arith.constant 4096 : i32
      %parallel_loop3A_290 = arith.constant 16 : i32
      scf.for %parallel_loop3A_589 = %parallel_loop3A to %parallel_loop3A_289 step %parallel_loop3A_290  : i32 {
        %parallel_loop3A_590 = arith.constant 10 : i32
        %parallel_loop3A_591 = arith.shrsi %parallel_loop3A_589, %parallel_loop3A_590 : i32
        %parallel_loop3A_592 = arith.constant 7 : i32
        %parallel_loop3A_593 = arith.shrsi %parallel_loop3A_589, %parallel_loop3A_592 : i32
        %parallel_loop3A_594 = arith.constant 7 : i32
        %parallel_loop3A_595 = arith.andi %parallel_loop3A_593, %parallel_loop3A_594 : i32
        %parallel_loop3A_596 = arith.constant 127 : i32
        %parallel_loop3A_597 = arith.andi %parallel_loop3A_589, %parallel_loop3A_596 : i32
        %parallel_loop3A_598 = arith.constant 128 : i32
        %parallel_loop3A_599 = arith.muli %parallel_loop3A_591, %parallel_loop3A_598 : i32
        %parallel_loop3A_600 = arith.addi %parallel_loop3A_599, %parallel_loop3A_597 : i32
        %parallel_loop3A_601 = arith.index_cast %parallel_loop3A_595 : i32 to index
        %parallel_loop3A_602 = arith.index_cast %parallel_loop3A_600 : i32 to index
        %parallel_loop3A_603 = tpu.vector_load %arg9[%parallel_loop3A_601, %parallel_loop3A_602] {strides = array<i32>} : memref<8x512xi32, #tpu.memory_space<vmem>>, vector<16xi32>,
        %parallel_loop3A_604 = arith.constant 16 : i32
        %parallel_loop3A_605 = vector.broadcast %parallel_loop3A_604 : i32 to vector<16xi32>
        %parallel_loop3A_606 = arith.muli %parallel_loop3A_603, %parallel_loop3A_605 : vector<16xi32>
        %parallel_loop3A_607 = tpu.iota {dimensions = array<i32: 0>} : vector<16xi32>
        %parallel_loop3A_608 = arith.addi %parallel_loop3A_606, %parallel_loop3A_607 : vector<16xi32>
        %parallel_loop3A_609 = tpu.vector_load_idx %arg5[%parallel_loop3A_608] : memref<16896xf32, #tpu.memory_space<vmem>>[vector<16xi32>], vector<16xf32>,
        %parallel_loop3A_610 = arith.constant 0 : i32
        %parallel_loop3A_611 = arith.index_cast %parallel_loop3A_610 : i32 to index
        %parallel_loop3A_612 = arith.index_cast %parallel_loop3A_591 : i32 to index
        %parallel_loop3A_613 = arith.index_cast %parallel_loop3A_595 : i32 to index
        %parallel_loop3A_614 = arith.index_cast %parallel_loop3A_597 : i32 to index
        %parallel_loop3A_615 = tpu.vector_load %arg11[%parallel_loop3A_611, %parallel_loop3A_612, %parallel_loop3A_613, %parallel_loop3A_614] {strides = array<i32>} : memref<4x4x8x128xf32, #tpu.memory_space<vmem>>, vector<16xf32>,
        tpu.vector_store %arg11[%parallel_loop3A_611, %parallel_loop3A_612, %parallel_loop3A_613, %parallel_loop3A_614], %parallel_loop3A_609 {strides = array<i32>} : memref<4x4x8x128xf32, #tpu.memory_space<vmem>>, vector<16xf32>,
        %parallel_loop3A_616 = tpu.vector_load_idx %arg6[%parallel_loop3A_608] : memref<16896xf32, #tpu.memory_space<vmem>>[vector<16xi32>], vector<16xf32>,
        %parallel_loop3A_617 = arith.constant 1 : i32
        %parallel_loop3A_618 = arith.index_cast %parallel_loop3A_617 : i32 to index
        %parallel_loop3A_619 = arith.index_cast %parallel_loop3A_591 : i32 to index
        %parallel_loop3A_620 = arith.index_cast %parallel_loop3A_595 : i32 to index
        %parallel_loop3A_621 = arith.index_cast %parallel_loop3A_597 : i32 to index
        %parallel_loop3A_622 = tpu.vector_load %arg11[%parallel_loop3A_618, %parallel_loop3A_619, %parallel_loop3A_620, %parallel_loop3A_621] {strides = array<i32>} : memref<4x4x8x128xf32, #tpu.memory_space<vmem>>, vector<16xf32>,
        tpu.vector_store %arg11[%parallel_loop3A_618, %parallel_loop3A_619, %parallel_loop3A_620, %parallel_loop3A_621], %parallel_loop3A_616 {strides = array<i32>} : memref<4x4x8x128xf32, #tpu.memory_space<vmem>>, vector<16xf32>,
        %parallel_loop3A_623 = tpu.vector_load_idx %arg7[%parallel_loop3A_608] : memref<16896xf32, #tpu.memory_space<vmem>>[vector<16xi32>], vector<16xf32>,
        %parallel_loop3A_624 = arith.constant 2 : i32
        %parallel_loop3A_625 = arith.index_cast %parallel_loop3A_624 : i32 to index
        %parallel_loop3A_626 = arith.index_cast %parallel_loop3A_591 : i32 to index
        %parallel_loop3A_627 = arith.index_cast %parallel_loop3A_595 : i32 to index
        %parallel_loop3A_628 = arith.index_cast %parallel_loop3A_597 : i32 to index
        %parallel_loop3A_629 = tpu.vector_load %arg11[%parallel_loop3A_625, %parallel_loop3A_626, %parallel_loop3A_627, %parallel_loop3A_628] {strides = array<i32>} : memref<4x4x8x128xf32, #tpu.memory_space<vmem>>, vector<16xf32>,
        tpu.vector_store %arg11[%parallel_loop3A_625, %parallel_loop3A_626, %parallel_loop3A_627, %parallel_loop3A_628], %parallel_loop3A_623 {strides = array<i32>} : memref<4x4x8x128xf32, #tpu.memory_space<vmem>>, vector<16xf32>,
        %parallel_loop3A_630 = tpu.vector_load_idx %arg8[%parallel_loop3A_608] : memref<16896xf32, #tpu.memory_space<vmem>>[vector<16xi32>], vector<16xf32>,
        %parallel_loop3A_631 = arith.constant 3 : i32
        %parallel_loop3A_632 = arith.index_cast %parallel_loop3A_631 : i32 to index
        %parallel_loop3A_633 = arith.index_cast %parallel_loop3A_591 : i32 to index
        %parallel_loop3A_634 = arith.index_cast %parallel_loop3A_595 : i32 to index
        %parallel_loop3A_635 = arith.index_cast %parallel_loop3A_597 : i32 to index
        %parallel_loop3A_636 = tpu.vector_load %arg11[%parallel_loop3A_632, %parallel_loop3A_633, %parallel_loop3A_634, %parallel_loop3A_635] {strides = array<i32>} : memref<4x4x8x128xf32, #tpu.memory_space<vmem>>, vector<16xf32>,
        tpu.vector_store %arg11[%parallel_loop3A_632, %parallel_loop3A_633, %parallel_loop3A_634, %parallel_loop3A_635], %parallel_loop3A_630 {strides = array<i32>} : memref<4x4x8x128xf32, #tpu.memory_space<vmem>>, vector<16xf32>,
      } {sc.loop_unroll_factor = 4 : i64, sc.parallel_access}
      %jit3A_291 = arith.constant 4 : i32
      %div3A_292 = arith.divsi %add3A_277, %jit3A_291 : i32
      %sign3A_293 = arith.constant 0 : i32
      %sign3A_294 = arith.cmpi sgt, %add3A_277, %sign3A_293 : i32
      %sign3A_295 = arith.extui %sign3A_294 : i1 to i32
      %sign3A_296 = arith.constant 0 : i32
      %sign3A_297 = arith.cmpi slt, %add3A_277, %sign3A_296 : i32
      %sign3A_298 = arith.extui %sign3A_297 : i1 to i32
      %sign3A_299 = arith.subi %sign3A_295, %sign3A_298 : i32
      %sign3A_300 = arith.constant 0 : i32
      %sign3A_301 = arith.cmpi sgt, %jit3A_291, %sign3A_300 : i32
      %sign3A_302 = arith.extui %sign3A_301 : i1 to i32
      %sign3A_303 = arith.constant 0 : i32
      %sign3A_304 = arith.cmpi slt, %jit3A_291, %sign3A_303 : i32
      %sign3A_305 = arith.extui %sign3A_304 : i1 to i32
      %sign3A_306 = arith.subi %sign3A_302, %sign3A_305 : i32
      %ne3A_307 = arith.cmpi ne, %sign3A_299, %sign3A_306 : i32
      %rem3A_308 = arith.remsi %add3A_277, %jit3A_291 : i32
      %ne3A_309 = arith.constant 0 : i32
      %ne3A_310 = arith.cmpi ne, %rem3A_308, %ne3A_309 : i32
      %and3A_311 = arith.andi %ne3A_307, %ne3A_310 : i1
      %sub3A_312 = arith.constant 1 : i32
      %sub3A_313 = arith.subi %div3A_292, %sub3A_312 : i32
      %select_n3A_314 = arith.select %and3A_311, %sub3A_313, %div3A_292 : i32
      %add3A_315 = arith.addi %mul3A_29, %select_n3A_314 : i32
      %jit3A_316 = arith.constant 4 : i32
      %eq3A_317 = arith.constant 0 : i32
      %eq3A_318 = arith.cmpi eq, %jit3A_316, %eq3A_317 : i32
      %jit3A_319 = arith.constant 1 : i32
      %select_n3A_320 = arith.select %eq3A_318, %jit3A_319, %jit3A_316 : i32
      %rem3A_321 = arith.remsi %add3A_277, %select_n3A_320 : i32
      %ne3A_322 = arith.constant 0 : i32
      %ne3A_323 = arith.cmpi ne, %rem3A_321, %ne3A_322 : i32
      %lt3A_324 = arith.constant 0 : i32
      %lt3A_325 = arith.cmpi slt, %rem3A_321, %lt3A_324 : i32
      %lt3A_326 = arith.constant 0 : i32
      %lt3A_327 = arith.cmpi slt, %select_n3A_320, %lt3A_326 : i32
      %ne3A_328 = arith.xori %lt3A_325, %lt3A_327 : i1
      %and3A_329 = arith.andi %ne3A_328, %ne3A_323 : i1
      %add3A_330 = arith.addi %rem3A_321, %select_n3A_320 : i32
      %select_n3A_331 = arith.select %and3A_329, %add3A_330, %rem3A_321 : i32
      %add3A_332 = arith.constant 0 : i32
      %add3A_333 = arith.addi %mul3A_31, %add3A_332 : i32
      %mul3A_334 = arith.constant 4 : i32
      %mul3A_335 = arith.muli %mul3A_334, %select_n3A_331 : i32
      %dma_start3A_336 = arith.constant 0 : i32
      %dma_start3A_337 = arith.constant 0 : i32
      %dma_start3A_338 = arith.constant 0 : i32
      %dma_start3A_339 = arith.constant 0 : i32
      %dma_start3A_340 = tpu.memref_slice %arg11[%dma_start3A_336, %dma_start3A_337, %dma_start3A_338, %dma_start3A_339] : memref<4x4x8x128xf32, #tpu.memory_space<vmem>> -> memref<1x4x8x128xf32, #tpu.memory_space<vmem>>
      %dma_start3A_341 = tpu.memref_squeeze %dma_start3A_340 : memref<1x4x8x128xf32, #tpu.memory_space<vmem>> -> memref<4x8x128xf32, #tpu.memory_space<vmem>>
      %dma_start3A_342 = arith.constant 0 : i32
      %dma_start3A_343 = arith.constant 0 : i32
      %dma_start3A_344 = tpu.memref_slice %arg4[%select_n3A, %add3A_333, %add3A_315, %mul3A_335, %dma_start3A_342, %dma_start3A_343] : memref<2x8x256x16x8x128xf32, #tpu.memory_space<hbm>> -> memref<1x1x1x4x8x128xf32, #tpu.memory_space<hbm>>
      %dma_start3A_345 = tpu.memref_squeeze %dma_start3A_344 : memref<1x1x1x4x8x128xf32, #tpu.memory_space<hbm>> -> memref<4x8x128xf32, #tpu.memory_space<hbm>>
      %dma_start3A_346 = arith.constant 0 : i32
      %dma_start3A_347 = arith.constant 0 : i32
      %dma_start3A_348 = tpu.memref_slice %arg4[%select_n3A, %add3A_333, %add3A_315, %mul3A_335, %dma_start3A_346, %dma_start3A_347] : memref<2x8x256x16x8x128xf32, #tpu.memory_space<hbm>> -> memref<1x1x1x4x8x128xf32, #tpu.memory_space<hbm>>
      %dma_start3A_349 = tpu.memref_squeeze %dma_start3A_348 : memref<1x1x1x4x8x128xf32, #tpu.memory_space<hbm>> -> memref<4x8x128xf32, #tpu.memory_space<hbm>>
      %dma_start3A_350 = arith.constant 0 : i32
      %dma_start3A_351 = arith.constant 0 : i32
      %dma_start3A_352 = arith.constant 0 : i32
      %dma_start3A_353 = tpu.memref_slice %arg11[%dma_start3A_336, %dma_start3A_350, %dma_start3A_351, %dma_start3A_352] : memref<4x4x8x128xf32, #tpu.memory_space<vmem>> -> memref<1x4x8x128xf32, #tpu.memory_space<vmem>>
      %dma_start3A_354 = tpu.memref_squeeze %dma_start3A_353 : memref<1x4x8x128xf32, #tpu.memory_space<vmem>> -> memref<4x8x128xf32, #tpu.memory_space<vmem>>
      tpu.enqueue_dma source(%dma_start3A_354 : memref<4x8x128xf32, #tpu.memory_space<vmem>>) target(%dma_start3A_349 : memref<4x8x128xf32, #tpu.memory_space<hbm>>) target_semaphore(%arg15 : memref<!tpu.dma_semaphore, #tpu.memory_space<semaphore_mem>>)
      %add3A_355 = arith.constant 1 : i32
      %add3A_356 = arith.addi %mul3A_31, %add3A_355 : i32
      %mul3A_357 = arith.constant 4 : i32
      %mul3A_358 = arith.muli %mul3A_357, %select_n3A_331 : i32
      %dma_start3A_359 = arith.constant 1 : i32
      %dma_start3A_360 = arith.constant 0 : i32
      %dma_start3A_361 = arith.constant 0 : i32
      %dma_start3A_362 = arith.constant 0 : i32
      %dma_start3A_363 = tpu.memref_slice %arg11[%dma_start3A_359, %dma_start3A_360, %dma_start3A_361, %dma_start3A_362] : memref<4x4x8x128xf32, #tpu.memory_space<vmem>> -> memref<1x4x8x128xf32, #tpu.memory_space<vmem>>
      %dma_start3A_364 = tpu.memref_squeeze %dma_start3A_363 : memref<1x4x8x128xf32, #tpu.memory_space<vmem>> -> memref<4x8x128xf32, #tpu.memory_space<vmem>>
      %dma_start3A_365 = arith.constant 0 : i32
      %dma_start3A_366 = arith.constant 0 : i32
      %dma_start3A_367 = tpu.memref_slice %arg4[%select_n3A, %add3A_356, %add3A_315, %mul3A_358, %dma_start3A_365, %dma_start3A_366] : memref<2x8x256x16x8x128xf32, #tpu.memory_space<hbm>> -> memref<1x1x1x4x8x128xf32, #tpu.memory_space<hbm>>
      %dma_start3A_368 = tpu.memref_squeeze %dma_start3A_367 : memref<1x1x1x4x8x128xf32, #tpu.memory_space<hbm>> -> memref<4x8x128xf32, #tpu.memory_space<hbm>>
      %dma_start3A_369 = arith.constant 0 : i32
      %dma_start3A_370 = arith.constant 0 : i32
      %dma_start3A_371 = tpu.memref_slice %arg4[%select_n3A, %add3A_356, %add3A_315, %mul3A_358, %dma_start3A_369, %dma_start3A_370] : memref<2x8x256x16x8x128xf32, #tpu.memory_space<hbm>> -> memref<1x1x1x4x8x128xf32, #tpu.memory_space<hbm>>
      %dma_start3A_372 = tpu.memref_squeeze %dma_start3A_371 : memref<1x1x1x4x8x128xf32, #tpu.memory_space<hbm>> -> memref<4x8x128xf32, #tpu.memory_space<hbm>>
      %dma_start3A_373 = arith.constant 0 : i32
      %dma_start3A_374 = arith.constant 0 : i32
      %dma_start3A_375 = arith.constant 0 : i32
      %dma_start3A_376 = tpu.memref_slice %arg11[%dma_start3A_359, %dma_start3A_373, %dma_start3A_374, %dma_start3A_375] : memref<4x4x8x128xf32, #tpu.memory_space<vmem>> -> memref<1x4x8x128xf32, #tpu.memory_space<vmem>>
      %dma_start3A_377 = tpu.memref_squeeze %dma_start3A_376 : memref<1x4x8x128xf32, #tpu.memory_space<vmem>> -> memref<4x8x128xf32, #tpu.memory_space<vmem>>
      tpu.enqueue_dma source(%dma_start3A_377 : memref<4x8x128xf32, #tpu.memory_space<vmem>>) target(%dma_start3A_372 : memref<4x8x128xf32, #tpu.memory_space<hbm>>) target_semaphore(%arg15 : memref<!tpu.dma_semaphore, #tpu.memory_space<semaphore_mem>>)
      %add3A_378 = arith.constant 2 : i32
      %add3A_379 = arith.addi %mul3A_31, %add3A_378 : i32
      %mul3A_380 = arith.constant 4 : i32
      %mul3A_381 = arith.muli %mul3A_380, %select_n3A_331 : i32
      %dma_start3A_382 = arith.constant 2 : i32
      %dma_start3A_383 = arith.constant 0 : i32
      %dma_start3A_384 = arith.constant 0 : i32
      %dma_start3A_385 = arith.constant 0 : i32
      %dma_start3A_386 = tpu.memref_slice %arg11[%dma_start3A_382, %dma_start3A_383, %dma_start3A_384, %dma_start3A_385] : memref<4x4x8x128xf32, #tpu.memory_space<vmem>> -> memref<1x4x8x128xf32, #tpu.memory_space<vmem>>
      %dma_start3A_387 = tpu.memref_squeeze %dma_start3A_386 : memref<1x4x8x128xf32, #tpu.memory_space<vmem>> -> memref<4x8x128xf32, #tpu.memory_space<vmem>>
      %dma_start3A_388 = arith.constant 0 : i32
      %dma_start3A_389 = arith.constant 0 : i32
      %dma_start3A_390 = tpu.memref_slice %arg4[%select_n3A, %add3A_379, %add3A_315, %mul3A_381, %dma_start3A_388, %dma_start3A_389] : memref<2x8x256x16x8x128xf32, #tpu.memory_space<hbm>> -> memref<1x1x1x4x8x128xf32, #tpu.memory_space<hbm>>
      %dma_start3A_391 = tpu.memref_squeeze %dma_start3A_390 : memref<1x1x1x4x8x128xf32, #tpu.memory_space<hbm>> -> memref<4x8x128xf32, #tpu.memory_space<hbm>>
      %dma_start3A_392 = arith.constant 0 : i32
      %dma_start3A_393 = arith.constant 0 : i32
      %dma_start3A_394 = tpu.memref_slice %arg4[%select_n3A, %add3A_379, %add3A_315, %mul3A_381, %dma_start3A_392, %dma_start3A_393] : memref<2x8x256x16x8x128xf32, #tpu.memory_space<hbm>> -> memref<1x1x1x4x8x128xf32, #tpu.memory_space<hbm>>
      %dma_start3A_395 = tpu.memref_squeeze %dma_start3A_394 : memref<1x1x1x4x8x128xf32, #tpu.memory_space<hbm>> -> memref<4x8x128xf32, #tpu.memory_space<hbm>>
      %dma_start3A_396 = arith.constant 0 : i32
      %dma_start3A_397 = arith.constant 0 : i32
      %dma_start3A_398 = arith.constant 0 : i32
      %dma_start3A_399 = tpu.memref_slice %arg11[%dma_start3A_382, %dma_start3A_396, %dma_start3A_397, %dma_start3A_398] : memref<4x4x8x128xf32, #tpu.memory_space<vmem>> -> memref<1x4x8x128xf32, #tpu.memory_space<vmem>>
      %dma_start3A_400 = tpu.memref_squeeze %dma_start3A_399 : memref<1x4x8x128xf32, #tpu.memory_space<vmem>> -> memref<4x8x128xf32, #tpu.memory_space<vmem>>
      tpu.enqueue_dma source(%dma_start3A_400 : memref<4x8x128xf32, #tpu.memory_space<vmem>>) target(%dma_start3A_395 : memref<4x8x128xf32, #tpu.memory_space<hbm>>) target_semaphore(%arg15 : memref<!tpu.dma_semaphore, #tpu.memory_space<semaphore_mem>>)
      %add3A_401 = arith.constant 3 : i32
      %add3A_402 = arith.addi %mul3A_31, %add3A_401 : i32
      %mul3A_403 = arith.constant 4 : i32
      %mul3A_404 = arith.muli %mul3A_403, %select_n3A_331 : i32
      %dma_start3A_405 = arith.constant 3 : i32
      %dma_start3A_406 = arith.constant 0 : i32
      %dma_start3A_407 = arith.constant 0 : i32
      %dma_start3A_408 = arith.constant 0 : i32
      %dma_start3A_409 = tpu.memref_slice %arg11[%dma_start3A_405, %dma_start3A_406, %dma_start3A_407, %dma_start3A_408] : memref<4x4x8x128xf32, #tpu.memory_space<vmem>> -> memref<1x4x8x128xf32, #tpu.memory_space<vmem>>
      %dma_start3A_410 = tpu.memref_squeeze %dma_start3A_409 : memref<1x4x8x128xf32, #tpu.memory_space<vmem>> -> memref<4x8x128xf32, #tpu.memory_space<vmem>>
      %dma_start3A_411 = arith.constant 0 : i32
      %dma_start3A_412 = arith.constant 0 : i32
      %dma_start3A_413 = tpu.memref_slice %arg4[%select_n3A, %add3A_402, %add3A_315, %mul3A_404, %dma_start3A_411, %dma_start3A_412] : memref<2x8x256x16x8x128xf32, #tpu.memory_space<hbm>> -> memref<1x1x1x4x8x128xf32, #tpu.memory_space<hbm>>
      %dma_start3A_414 = tpu.memref_squeeze %dma_start3A_413 : memref<1x1x1x4x8x128xf32, #tpu.memory_space<hbm>> -> memref<4x8x128xf32, #tpu.memory_space<hbm>>
      %dma_start3A_415 = arith.constant 0 : i32
      %dma_start3A_416 = arith.constant 0 : i32
      %dma_start3A_417 = tpu.memref_slice %arg4[%select_n3A, %add3A_402, %add3A_315, %mul3A_404, %dma_start3A_415, %dma_start3A_416] : memref<2x8x256x16x8x128xf32, #tpu.memory_space<hbm>> -> memref<1x1x1x4x8x128xf32, #tpu.memory_space<hbm>>
      %dma_start3A_418 = tpu.memref_squeeze %dma_start3A_417 : memref<1x1x1x4x8x128xf32, #tpu.memory_space<hbm>> -> memref<4x8x128xf32, #tpu.memory_space<hbm>>
      %dma_start3A_419 = arith.constant 0 : i32
      %dma_start3A_420 = arith.constant 0 : i32
      %dma_start3A_421 = arith.constant 0 : i32
      %dma_start3A_422 = tpu.memref_slice %arg11[%dma_start3A_405, %dma_start3A_419, %dma_start3A_420, %dma_start3A_421] : memref<4x4x8x128xf32, #tpu.memory_space<vmem>> -> memref<1x4x8x128xf32, #tpu.memory_space<vmem>>
      %dma_start3A_423 = tpu.memref_squeeze %dma_start3A_422 : memref<1x4x8x128xf32, #tpu.memory_space<vmem>> -> memref<4x8x128xf32, #tpu.memory_space<vmem>>
      tpu.enqueue_dma source(%dma_start3A_423 : memref<4x8x128xf32, #tpu.memory_space<vmem>>) target(%dma_start3A_418 : memref<4x8x128xf32, #tpu.memory_space<hbm>>) target_semaphore(%arg15 : memref<!tpu.dma_semaphore, #tpu.memory_space<semaphore_mem>>)
      %lt3A_424 = arith.constant 63 : i32
      %lt3A_425 = arith.cmpi slt, %scan3A_272, %lt3A_424 : i32
      %convert_element_type3A_426 = arith.extui %lt3A_425 : i1 to i32
      %cond3A_427 = arith.constant 0 : i32
      %cond3A_428 = arith.cmpi ne, %convert_element_type3A_426, %cond3A_427 : i32
      scf.if %cond3A_428 {
        %add3A_589 = arith.constant 2 : i32
        %add3A_590 = arith.addi %add3A_277, %add3A_589 : i32
        %jit3A_591 = arith.constant 4 : i32
        %div3A_592 = arith.divsi %add3A_590, %jit3A_591 : i32
        %sign3A_593 = arith.constant 0 : i32
        %sign3A_594 = arith.cmpi sgt, %add3A_590, %sign3A_593 : i32
        %sign3A_595 = arith.extui %sign3A_594 : i1 to i32
        %sign3A_596 = arith.constant 0 : i32
        %sign3A_597 = arith.cmpi slt, %add3A_590, %sign3A_596 : i32
        %sign3A_598 = arith.extui %sign3A_597 : i1 to i32
        %sign3A_599 = arith.subi %sign3A_595, %sign3A_598 : i32
        %sign3A_600 = arith.constant 0 : i32
        %sign3A_601 = arith.cmpi sgt, %jit3A_591, %sign3A_600 : i32
        %sign3A_602 = arith.extui %sign3A_601 : i1 to i32
        %sign3A_603 = arith.constant 0 : i32
        %sign3A_604 = arith.cmpi slt, %jit3A_591, %sign3A_603 : i32
        %sign3A_605 = arith.extui %sign3A_604 : i1 to i32
        %sign3A_606 = arith.subi %sign3A_602, %sign3A_605 : i32
        %ne3A_607 = arith.cmpi ne, %sign3A_599, %sign3A_606 : i32
        %rem3A_608 = arith.remsi %add3A_590, %jit3A_591 : i32
        %ne3A_609 = arith.constant 0 : i32
        %ne3A_610 = arith.cmpi ne, %rem3A_608, %ne3A_609 : i32
        %and3A_611 = arith.andi %ne3A_607, %ne3A_610 : i1
        %sub3A_612 = arith.constant 1 : i32
        %sub3A_613 = arith.subi %div3A_592, %sub3A_612 : i32
        %select_n3A_614 = arith.select %and3A_611, %sub3A_613, %div3A_592 : i32
        %add3A_615 = arith.addi %mul3A_29, %select_n3A_614 : i32
        %jit3A_616 = arith.constant 4 : i32
        %eq3A_617 = arith.constant 0 : i32
        %eq3A_618 = arith.cmpi eq, %jit3A_616, %eq3A_617 : i32
        %jit3A_619 = arith.constant 1 : i32
        %select_n3A_620 = arith.select %eq3A_618, %jit3A_619, %jit3A_616 : i32
        %rem3A_621 = arith.remsi %add3A_590, %select_n3A_620 : i32
        %ne3A_622 = arith.constant 0 : i32
        %ne3A_623 = arith.cmpi ne, %rem3A_621, %ne3A_622 : i32
        %lt3A_624 = arith.constant 0 : i32
        %lt3A_625 = arith.cmpi slt, %rem3A_621, %lt3A_624 : i32
        %lt3A_626 = arith.constant 0 : i32
        %lt3A_627 = arith.cmpi slt, %select_n3A_620, %lt3A_626 : i32
        %ne3A_628 = arith.xori %lt3A_625, %lt3A_627 : i1
        %and3A_629 = arith.andi %ne3A_628, %ne3A_623 : i1
        %add3A_630 = arith.addi %rem3A_621, %select_n3A_620 : i32
        %select_n3A_631 = arith.select %and3A_629, %add3A_630, %rem3A_621 : i32
        %mul3A_632 = arith.constant 8 : i32
        %mul3A_633 = arith.muli %mul3A_632, %add3A_615 : i32
        %mul3A_634 = arith.constant 512 : i32
        %mul3A_635 = arith.muli %mul3A_634, %select_n3A_631 : i32
        %dma_start3A_636 = tpu.memref_slice %arg2[%select_n3A, %mul3A_633, %mul3A_635] : memref<2x2048x2048xi32, #tpu.memory_space<hbm>> -> memref<1x8x512xi32, #tpu.memory_space<hbm>>
        %dma_start3A_637 = tpu.memref_squeeze %dma_start3A_636 : memref<1x8x512xi32, #tpu.memory_space<hbm>> -> memref<8x512xi32, #tpu.memory_space<hbm>>
        %dma_start3A_638 = tpu.memref_slice %arg2[%select_n3A, %mul3A_633, %mul3A_635] : memref<2x2048x2048xi32, #tpu.memory_space<hbm>> -> memref<1x8x512xi32, #tpu.memory_space<hbm>>
        %dma_start3A_639 = tpu.memref_squeeze %dma_start3A_638 : memref<1x8x512xi32, #tpu.memory_space<hbm>> -> memref<8x512xi32, #tpu.memory_space<hbm>>
        tpu.enqueue_dma source(%dma_start3A_639 : memref<8x512xi32, #tpu.memory_space<hbm>>) target(%arg9 : memref<8x512xi32, #tpu.memory_space<vmem>>) target_semaphore(%arg13 : memref<!tpu.dma_semaphore, #tpu.memory_space<semaphore_mem>>)
      } else {
      }
      %mul3A_429 = arith.constant 2 : i32
      %mul3A_430 = arith.muli %mul3A_429, %scan3A_272 : i32
      %add3A_431 = arith.constant 1 : i32
      %add3A_432 = arith.addi %mul3A_430, %add3A_431 : i32
      %dma_wait3A_433 = arith.constant 0 : i32
      %dma_wait3A_434 = arith.constant 0 : i32
      %dma_wait3A_435 = arith.constant 0 : i32
      %dma_wait3A_436 = tpu.memref_slice %arg2[%dma_wait3A_433, %dma_wait3A_434, %dma_wait3A_435] : memref<2x2048x2048xi32, #tpu.memory_space<hbm>> -> memref<1x8x512xi32, #tpu.memory_space<hbm>>
      %dma_wait3A_437 = tpu.memref_squeeze %dma_wait3A_436 : memref<1x8x512xi32, #tpu.memory_space<hbm>> -> memref<8x512xi32, #tpu.memory_space<hbm>>
      %dma_wait3A_438 = arith.constant 0 : i32
      %dma_wait3A_439 = arith.constant 0 : i32
      %dma_wait3A_440 = tpu.memref_slice %arg2[%dma_wait3A_433, %dma_wait3A_438, %dma_wait3A_439] : memref<2x2048x2048xi32, #tpu.memory_space<hbm>> -> memref<1x8x512xi32, #tpu.memory_space<hbm>>
      %dma_wait3A_441 = tpu.memref_squeeze %dma_wait3A_440 : memref<1x8x512xi32, #tpu.memory_space<hbm>> -> memref<8x512xi32, #tpu.memory_space<hbm>>
      tpu.wait_dma2 semaphore(%arg14 : memref<!tpu.dma_semaphore, #tpu.memory_space<semaphore_mem>>) src(%dma_wait3A_441 : memref<8x512xi32, #tpu.memory_space<hbm>>) dst(%arg10 : memref<8x512xi32, #tpu.memory_space<vmem>>)
      %gt3A_442 = arith.constant 0 : i32
      %gt3A_443 = arith.cmpi sgt, %scan3A_272, %gt3A_442 : i32
      %convert_element_type3A_444 = arith.extui %gt3A_443 : i1 to i32
      %cond3A_445 = arith.constant 0 : i32
      %cond3A_446 = arith.cmpi ne, %convert_element_type3A_444, %cond3A_445 : i32
      scf.if %cond3A_446 {
        %dma_wait3A_589 = arith.constant 0 : i32
        %dma_wait3A_590 = arith.constant 0 : i32
        %dma_wait3A_591 = arith.constant 0 : i32
        %dma_wait3A_592 = arith.constant 0 : i32
        %dma_wait3A_593 = arith.constant 0 : i32
        %dma_wait3A_594 = arith.constant 0 : i32
        %dma_wait3A_595 = arith.constant 0 : i32
        %dma_wait3A_596 = tpu.memref_slice %arg12[%dma_wait3A_589, %dma_wait3A_593, %dma_wait3A_594, %dma_wait3A_595] : memref<4x4x8x128xf32, #tpu.memory_space<vmem>> -> memref<1x4x8x128xf32, #tpu.memory_space<vmem>>
        %dma_wait3A_597 = tpu.memref_squeeze %dma_wait3A_596 : memref<1x4x8x128xf32, #tpu.memory_space<vmem>> -> memref<4x8x128xf32, #tpu.memory_space<vmem>>
        %dma_wait3A_598 = arith.constant 0 : i32
        %dma_wait3A_599 = arith.constant 0 : i32
        %dma_wait3A_600 = arith.constant 0 : i32
        %dma_wait3A_601 = tpu.memref_slice %arg4[%dma_wait3A_590, %dma_wait3A_591, %dma_wait3A_592, %dma_wait3A_598, %dma_wait3A_599, %dma_wait3A_600] : memref<2x8x256x16x8x128xf32, #tpu.memory_space<hbm>> -> memref<1x1x1x4x8x128xf32, #tpu.memory_space<hbm>>
        %dma_wait3A_602 = tpu.memref_squeeze %dma_wait3A_601 : memref<1x1x1x4x8x128xf32, #tpu.memory_space<hbm>> -> memref<4x8x128xf32, #tpu.memory_space<hbm>>
        %dma_wait3A_603 = arith.constant 0 : i32
        %dma_wait3A_604 = arith.constant 0 : i32
        %dma_wait3A_605 = arith.constant 0 : i32
        %dma_wait3A_606 = tpu.memref_slice %arg4[%dma_wait3A_590, %dma_wait3A_591, %dma_wait3A_592, %dma_wait3A_603, %dma_wait3A_604, %dma_wait3A_605] : memref<2x8x256x16x8x128xf32, #tpu.memory_space<hbm>> -> memref<1x1x1x4x8x128xf32, #tpu.memory_space<hbm>>
        %dma_wait3A_607 = tpu.memref_squeeze %dma_wait3A_606 : memref<1x1x1x4x8x128xf32, #tpu.memory_space<hbm>> -> memref<4x8x128xf32, #tpu.memory_space<hbm>>
        %dma_wait3A_608 = arith.constant 0 : i32
        %dma_wait3A_609 = arith.constant 0 : i32
        %dma_wait3A_610 = arith.constant 0 : i32
        %dma_wait3A_611 = tpu.memref_slice %arg12[%dma_wait3A_589, %dma_wait3A_608, %dma_wait3A_609, %dma_wait3A_610] : memref<4x4x8x128xf32, #tpu.memory_space<vmem>> -> memref<1x4x8x128xf32, #tpu.memory_space<vmem>>
        %dma_wait3A_612 = tpu.memref_squeeze %dma_wait3A_611 : memref<1x4x8x128xf32, #tpu.memory_space<vmem>> -> memref<4x8x128xf32, #tpu.memory_space<vmem>>
        tpu.wait_dma2 semaphore(%arg16 : memref<!tpu.dma_semaphore, #tpu.memory_space<semaphore_mem>>) src(%dma_wait3A_612 : memref<4x8x128xf32, #tpu.memory_space<vmem>>) dst(%dma_wait3A_607 : memref<4x8x128xf32, #tpu.memory_space<hbm>>)
        %dma_wait3A_613 = arith.constant 1 : i32
        %dma_wait3A_614 = arith.constant 0 : i32
        %dma_wait3A_615 = arith.constant 0 : i32
        %dma_wait3A_616 = arith.constant 0 : i32
        %dma_wait3A_617 = arith.constant 0 : i32
        %dma_wait3A_618 = arith.constant 0 : i32
        %dma_wait3A_619 = arith.constant 0 : i32
        %dma_wait3A_620 = tpu.memref_slice %arg12[%dma_wait3A_613, %dma_wait3A_617, %dma_wait3A_618, %dma_wait3A_619] : memref<4x4x8x128xf32, #tpu.memory_space<vmem>> -> memref<1x4x8x128xf32, #tpu.memory_space<vmem>>
        %dma_wait3A_621 = tpu.memref_squeeze %dma_wait3A_620 : memref<1x4x8x128xf32, #tpu.memory_space<vmem>> -> memref<4x8x128xf32, #tpu.memory_space<vmem>>
        %dma_wait3A_622 = arith.constant 0 : i32
        %dma_wait3A_623 = arith.constant 0 : i32
        %dma_wait3A_624 = arith.constant 0 : i32
        %dma_wait3A_625 = tpu.memref_slice %arg4[%dma_wait3A_614, %dma_wait3A_615, %dma_wait3A_616, %dma_wait3A_622, %dma_wait3A_623, %dma_wait3A_624] : memref<2x8x256x16x8x128xf32, #tpu.memory_space<hbm>> -> memref<1x1x1x4x8x128xf32, #tpu.memory_space<hbm>>
        %dma_wait3A_626 = tpu.memref_squeeze %dma_wait3A_625 : memref<1x1x1x4x8x128xf32, #tpu.memory_space<hbm>> -> memref<4x8x128xf32, #tpu.memory_space<hbm>>
        %dma_wait3A_627 = arith.constant 0 : i32
        %dma_wait3A_628 = arith.constant 0 : i32
        %dma_wait3A_629 = arith.constant 0 : i32
        %dma_wait3A_630 = tpu.memref_slice %arg4[%dma_wait3A_614, %dma_wait3A_615, %dma_wait3A_616, %dma_wait3A_627, %dma_wait3A_628, %dma_wait3A_629] : memref<2x8x256x16x8x128xf32, #tpu.memory_space<hbm>> -> memref<1x1x1x4x8x128xf32, #tpu.memory_space<hbm>>
        %dma_wait3A_631 = tpu.memref_squeeze %dma_wait3A_630 : memref<1x1x1x4x8x128xf32, #tpu.memory_space<hbm>> -> memref<4x8x128xf32, #tpu.memory_space<hbm>>
        %dma_wait3A_632 = arith.constant 0 : i32
        %dma_wait3A_633 = arith.constant 0 : i32
        %dma_wait3A_634 = arith.constant 0 : i32
        %dma_wait3A_635 = tpu.memref_slice %arg12[%dma_wait3A_613, %dma_wait3A_632, %dma_wait3A_633, %dma_wait3A_634] : memref<4x4x8x128xf32, #tpu.memory_space<vmem>> -> memref<1x4x8x128xf32, #tpu.memory_space<vmem>>
        %dma_wait3A_636 = tpu.memref_squeeze %dma_wait3A_635 : memref<1x4x8x128xf32, #tpu.memory_space<vmem>> -> memref<4x8x128xf32, #tpu.memory_space<vmem>>
        tpu.wait_dma2 semaphore(%arg16 : memref<!tpu.dma_semaphore, #tpu.memory_space<semaphore_mem>>) src(%dma_wait3A_636 : memref<4x8x128xf32, #tpu.memory_space<vmem>>) dst(%dma_wait3A_631 : memref<4x8x128xf32, #tpu.memory_space<hbm>>)
        %dma_wait3A_637 = arith.constant 2 : i32
        %dma_wait3A_638 = arith.constant 0 : i32
        %dma_wait3A_639 = arith.constant 0 : i32
        %dma_wait3A_640 = arith.constant 0 : i32
        %dma_wait3A_641 = arith.constant 0 : i32
        %dma_wait3A_642 = arith.constant 0 : i32
        %dma_wait3A_643 = arith.constant 0 : i32
        %dma_wait3A_644 = tpu.memref_slice %arg12[%dma_wait3A_637, %dma_wait3A_641, %dma_wait3A_642, %dma_wait3A_643] : memref<4x4x8x128xf32, #tpu.memory_space<vmem>> -> memref<1x4x8x128xf32, #tpu.memory_space<vmem>>
        %dma_wait3A_645 = tpu.memref_squeeze %dma_wait3A_644 : memref<1x4x8x128xf32, #tpu.memory_space<vmem>> -> memref<4x8x128xf32, #tpu.memory_space<vmem>>
        %dma_wait3A_646 = arith.constant 0 : i32
        %dma_wait3A_647 = arith.constant 0 : i32
        %dma_wait3A_648 = arith.constant 0 : i32
        %dma_wait3A_649 = tpu.memref_slice %arg4[%dma_wait3A_638, %dma_wait3A_639, %dma_wait3A_640, %dma_wait3A_646, %dma_wait3A_647, %dma_wait3A_648] : memref<2x8x256x16x8x128xf32, #tpu.memory_space<hbm>> -> memref<1x1x1x4x8x128xf32, #tpu.memory_space<hbm>>
        %dma_wait3A_650 = tpu.memref_squeeze %dma_wait3A_649 : memref<1x1x1x4x8x128xf32, #tpu.memory_space<hbm>> -> memref<4x8x128xf32, #tpu.memory_space<hbm>>
        %dma_wait3A_651 = arith.constant 0 : i32
        %dma_wait3A_652 = arith.constant 0 : i32
        %dma_wait3A_653 = arith.constant 0 : i32
        %dma_wait3A_654 = tpu.memref_slice %arg4[%dma_wait3A_638, %dma_wait3A_639, %dma_wait3A_640, %dma_wait3A_651, %dma_wait3A_652, %dma_wait3A_653] : memref<2x8x256x16x8x128xf32, #tpu.memory_space<hbm>> -> memref<1x1x1x4x8x128xf32, #tpu.memory_space<hbm>>
        %dma_wait3A_655 = tpu.memref_squeeze %dma_wait3A_654 : memref<1x1x1x4x8x128xf32, #tpu.memory_space<hbm>> -> memref<4x8x128xf32, #tpu.memory_space<hbm>>
        %dma_wait3A_656 = arith.constant 0 : i32
        %dma_wait3A_657 = arith.constant 0 : i32
        %dma_wait3A_658 = arith.constant 0 : i32
        %dma_wait3A_659 = tpu.memref_slice %arg12[%dma_wait3A_637, %dma_wait3A_656, %dma_wait3A_657, %dma_wait3A_658] : memref<4x4x8x128xf32, #tpu.memory_space<vmem>> -> memref<1x4x8x128xf32, #tpu.memory_space<vmem>>
        %dma_wait3A_660 = tpu.memref_squeeze %dma_wait3A_659 : memref<1x4x8x128xf32, #tpu.memory_space<vmem>> -> memref<4x8x128xf32, #tpu.memory_space<vmem>>
        tpu.wait_dma2 semaphore(%arg16 : memref<!tpu.dma_semaphore, #tpu.memory_space<semaphore_mem>>) src(%dma_wait3A_660 : memref<4x8x128xf32, #tpu.memory_space<vmem>>) dst(%dma_wait3A_655 : memref<4x8x128xf32, #tpu.memory_space<hbm>>)
        %dma_wait3A_661 = arith.constant 3 : i32
        %dma_wait3A_662 = arith.constant 0 : i32
        %dma_wait3A_663 = arith.constant 0 : i32
        %dma_wait3A_664 = arith.constant 0 : i32
        %dma_wait3A_665 = arith.constant 0 : i32
        %dma_wait3A_666 = arith.constant 0 : i32
        %dma_wait3A_667 = arith.constant 0 : i32
        %dma_wait3A_668 = tpu.memref_slice %arg12[%dma_wait3A_661, %dma_wait3A_665, %dma_wait3A_666, %dma_wait3A_667] : memref<4x4x8x128xf32, #tpu.memory_space<vmem>> -> memref<1x4x8x128xf32, #tpu.memory_space<vmem>>
        %dma_wait3A_669 = tpu.memref_squeeze %dma_wait3A_668 : memref<1x4x8x128xf32, #tpu.memory_space<vmem>> -> memref<4x8x128xf32, #tpu.memory_space<vmem>>
        %dma_wait3A_670 = arith.constant 0 : i32
        %dma_wait3A_671 = arith.constant 0 : i32
        %dma_wait3A_672 = arith.constant 0 : i32
        %dma_wait3A_673 = tpu.memref_slice %arg4[%dma_wait3A_662, %dma_wait3A_663, %dma_wait3A_664, %dma_wait3A_670, %dma_wait3A_671, %dma_wait3A_672] : memref<2x8x256x16x8x128xf32, #tpu.memory_space<hbm>> -> memref<1x1x1x4x8x128xf32, #tpu.memory_space<hbm>>
        %dma_wait3A_674 = tpu.memref_squeeze %dma_wait3A_673 : memref<1x1x1x4x8x128xf32, #tpu.memory_space<hbm>> -> memref<4x8x128xf32, #tpu.memory_space<hbm>>
        %dma_wait3A_675 = arith.constant 0 : i32
        %dma_wait3A_676 = arith.constant 0 : i32
        %dma_wait3A_677 = arith.constant 0 : i32
        %dma_wait3A_678 = tpu.memref_slice %arg4[%dma_wait3A_662, %dma_wait3A_663, %dma_wait3A_664, %dma_wait3A_675, %dma_wait3A_676, %dma_wait3A_677] : memref<2x8x256x16x8x128xf32, #tpu.memory_space<hbm>> -> memref<1x1x1x4x8x128xf32, #tpu.memory_space<hbm>>
        %dma_wait3A_679 = tpu.memref_squeeze %dma_wait3A_678 : memref<1x1x1x4x8x128xf32, #tpu.memory_space<hbm>> -> memref<4x8x128xf32, #tpu.memory_space<hbm>>
        %dma_wait3A_680 = arith.constant 0 : i32
        %dma_wait3A_681 = arith.constant 0 : i32
        %dma_wait3A_682 = arith.constant 0 : i32
        %dma_wait3A_683 = tpu.memref_slice %arg12[%dma_wait3A_661, %dma_wait3A_680, %dma_wait3A_681, %dma_wait3A_682] : memref<4x4x8x128xf32, #tpu.memory_space<vmem>> -> memref<1x4x8x128xf32, #tpu.memory_space<vmem>>
        %dma_wait3A_684 = tpu.memref_squeeze %dma_wait3A_683 : memref<1x4x8x128xf32, #tpu.memory_space<vmem>> -> memref<4x8x128xf32, #tpu.memory_space<vmem>>
        tpu.wait_dma2 semaphore(%arg16 : memref<!tpu.dma_semaphore, #tpu.memory_space<semaphore_mem>>) src(%dma_wait3A_684 : memref<4x8x128xf32, #tpu.memory_space<vmem>>) dst(%dma_wait3A_679 : memref<4x8x128xf32, #tpu.memory_space<hbm>>)
      } else {
      }
      %parallel_loop3A_447 = arith.constant 0 : i32
      %parallel_loop3A_448 = arith.constant 4096 : i32
      %parallel_loop3A_449 = arith.constant 16 : i32
      scf.for %parallel_loop3A_589 = %parallel_loop3A_447 to %parallel_loop3A_448 step %parallel_loop3A_449  : i32 {
        %parallel_loop3A_590 = arith.constant 10 : i32
        %parallel_loop3A_591 = arith.shrsi %parallel_loop3A_589, %parallel_loop3A_590 : i32
        %parallel_loop3A_592 = arith.constant 7 : i32
        %parallel_loop3A_593 = arith.shrsi %parallel_loop3A_589, %parallel_loop3A_592 : i32
        %parallel_loop3A_594 = arith.constant 7 : i32
        %parallel_loop3A_595 = arith.andi %parallel_loop3A_593, %parallel_loop3A_594 : i32
        %parallel_loop3A_596 = arith.constant 127 : i32
        %parallel_loop3A_597 = arith.andi %parallel_loop3A_589, %parallel_loop3A_596 : i32
        %parallel_loop3A_598 = arith.constant 128 : i32
        %parallel_loop3A_599 = arith.muli %parallel_loop3A_591, %parallel_loop3A_598 : i32
        %parallel_loop3A_600 = arith.addi %parallel_loop3A_599, %parallel_loop3A_597 : i32
        %parallel_loop3A_601 = arith.index_cast %parallel_loop3A_595 : i32 to index
        %parallel_loop3A_602 = arith.index_cast %parallel_loop3A_600 : i32 to index
        %parallel_loop3A_603 = tpu.vector_load %arg10[%parallel_loop3A_601, %parallel_loop3A_602] {strides = array<i32>} : memref<8x512xi32, #tpu.memory_space<vmem>>, vector<16xi32>,
        %parallel_loop3A_604 = arith.constant 16 : i32
        %parallel_loop3A_605 = vector.broadcast %parallel_loop3A_604 : i32 to vector<16xi32>
        %parallel_loop3A_606 = arith.muli %parallel_loop3A_603, %parallel_loop3A_605 : vector<16xi32>
        %parallel_loop3A_607 = tpu.iota {dimensions = array<i32: 0>} : vector<16xi32>
        %parallel_loop3A_608 = arith.addi %parallel_loop3A_606, %parallel_loop3A_607 : vector<16xi32>
        %parallel_loop3A_609 = tpu.vector_load_idx %arg5[%parallel_loop3A_608] : memref<16896xf32, #tpu.memory_space<vmem>>[vector<16xi32>], vector<16xf32>,
        %parallel_loop3A_610 = arith.constant 0 : i32
        %parallel_loop3A_611 = arith.index_cast %parallel_loop3A_610 : i32 to index
        %parallel_loop3A_612 = arith.index_cast %parallel_loop3A_591 : i32 to index
        %parallel_loop3A_613 = arith.index_cast %parallel_loop3A_595 : i32 to index
        %parallel_loop3A_614 = arith.index_cast %parallel_loop3A_597 : i32 to index
        %parallel_loop3A_615 = tpu.vector_load %arg12[%parallel_loop3A_611, %parallel_loop3A_612, %parallel_loop3A_613, %parallel_loop3A_614] {strides = array<i32>} : memref<4x4x8x128xf32, #tpu.memory_space<vmem>>, vector<16xf32>,
        tpu.vector_store %arg12[%parallel_loop3A_611, %parallel_loop3A_612, %parallel_loop3A_613, %parallel_loop3A_614], %parallel_loop3A_609 {strides = array<i32>} : memref<4x4x8x128xf32, #tpu.memory_space<vmem>>, vector<16xf32>,
        %parallel_loop3A_616 = tpu.vector_load_idx %arg6[%parallel_loop3A_608] : memref<16896xf32, #tpu.memory_space<vmem>>[vector<16xi32>], vector<16xf32>,
        %parallel_loop3A_617 = arith.constant 1 : i32
        %parallel_loop3A_618 = arith.index_cast %parallel_loop3A_617 : i32 to index
        %parallel_loop3A_619 = arith.index_cast %parallel_loop3A_591 : i32 to index
        %parallel_loop3A_620 = arith.index_cast %parallel_loop3A_595 : i32 to index
        %parallel_loop3A_621 = arith.index_cast %parallel_loop3A_597 : i32 to index
        %parallel_loop3A_622 = tpu.vector_load %arg12[%parallel_loop3A_618, %parallel_loop3A_619, %parallel_loop3A_620, %parallel_loop3A_621] {strides = array<i32>} : memref<4x4x8x128xf32, #tpu.memory_space<vmem>>, vector<16xf32>,
        tpu.vector_store %arg12[%parallel_loop3A_618, %parallel_loop3A_619, %parallel_loop3A_620, %parallel_loop3A_621], %parallel_loop3A_616 {strides = array<i32>} : memref<4x4x8x128xf32, #tpu.memory_space<vmem>>, vector<16xf32>,
        %parallel_loop3A_623 = tpu.vector_load_idx %arg7[%parallel_loop3A_608] : memref<16896xf32, #tpu.memory_space<vmem>>[vector<16xi32>], vector<16xf32>,
        %parallel_loop3A_624 = arith.constant 2 : i32
        %parallel_loop3A_625 = arith.index_cast %parallel_loop3A_624 : i32 to index
        %parallel_loop3A_626 = arith.index_cast %parallel_loop3A_591 : i32 to index
        %parallel_loop3A_627 = arith.index_cast %parallel_loop3A_595 : i32 to index
        %parallel_loop3A_628 = arith.index_cast %parallel_loop3A_597 : i32 to index
        %parallel_loop3A_629 = tpu.vector_load %arg12[%parallel_loop3A_625, %parallel_loop3A_626, %parallel_loop3A_627, %parallel_loop3A_628] {strides = array<i32>} : memref<4x4x8x128xf32, #tpu.memory_space<vmem>>, vector<16xf32>,
        tpu.vector_store %arg12[%parallel_loop3A_625, %parallel_loop3A_626, %parallel_loop3A_627, %parallel_loop3A_628], %parallel_loop3A_623 {strides = array<i32>} : memref<4x4x8x128xf32, #tpu.memory_space<vmem>>, vector<16xf32>,
        %parallel_loop3A_630 = tpu.vector_load_idx %arg8[%parallel_loop3A_608] : memref<16896xf32, #tpu.memory_space<vmem>>[vector<16xi32>], vector<16xf32>,
        %parallel_loop3A_631 = arith.constant 3 : i32
        %parallel_loop3A_632 = arith.index_cast %parallel_loop3A_631 : i32 to index
        %parallel_loop3A_633 = arith.index_cast %parallel_loop3A_591 : i32 to index
        %parallel_loop3A_634 = arith.index_cast %parallel_loop3A_595 : i32 to index
        %parallel_loop3A_635 = arith.index_cast %parallel_loop3A_597 : i32 to index
        %parallel_loop3A_636 = tpu.vector_load %arg12[%parallel_loop3A_632, %parallel_loop3A_633, %parallel_loop3A_634, %parallel_loop3A_635] {strides = array<i32>} : memref<4x4x8x128xf32, #tpu.memory_space<vmem>>, vector<16xf32>,
        tpu.vector_store %arg12[%parallel_loop3A_632, %parallel_loop3A_633, %parallel_loop3A_634, %parallel_loop3A_635], %parallel_loop3A_630 {strides = array<i32>} : memref<4x4x8x128xf32, #tpu.memory_space<vmem>>, vector<16xf32>,
      } {sc.loop_unroll_factor = 4 : i64, sc.parallel_access}
      %jit3A_450 = arith.constant 4 : i32
      %div3A_451 = arith.divsi %add3A_432, %jit3A_450 : i32
      %sign3A_452 = arith.constant 0 : i32
      %sign3A_453 = arith.cmpi sgt, %add3A_432, %sign3A_452 : i32
      %sign3A_454 = arith.extui %sign3A_453 : i1 to i32
      %sign3A_455 = arith.constant 0 : i32
      %sign3A_456 = arith.cmpi slt, %add3A_432, %sign3A_455 : i32
      %sign3A_457 = arith.extui %sign3A_456 : i1 to i32
      %sign3A_458 = arith.subi %sign3A_454, %sign3A_457 : i32
      %sign3A_459 = arith.constant 0 : i32
      %sign3A_460 = arith.cmpi sgt, %jit3A_450, %sign3A_459 : i32
      %sign3A_461 = arith.extui %sign3A_460 : i1 to i32
      %sign3A_462 = arith.constant 0 : i32
      %sign3A_463 = arith.cmpi slt, %jit3A_450, %sign3A_462 : i32
      %sign3A_464 = arith.extui %sign3A_463 : i1 to i32
      %sign3A_465 = arith.subi %sign3A_461, %sign3A_464 : i32
      %ne3A_466 = arith.cmpi ne, %sign3A_458, %sign3A_465 : i32
      %rem3A_467 = arith.remsi %add3A_432, %jit3A_450 : i32
      %ne3A_468 = arith.constant 0 : i32
      %ne3A_469 = arith.cmpi ne, %rem3A_467, %ne3A_468 : i32
      %and3A_470 = arith.andi %ne3A_466, %ne3A_469 : i1
      %sub3A_471 = arith.constant 1 : i32
      %sub3A_472 = arith.subi %div3A_451, %sub3A_471 : i32
      %select_n3A_473 = arith.select %and3A_470, %sub3A_472, %div3A_451 : i32
      %add3A_474 = arith.addi %mul3A_29, %select_n3A_473 : i32
      %jit3A_475 = arith.constant 4 : i32
      %eq3A_476 = arith.constant 0 : i32
      %eq3A_477 = arith.cmpi eq, %jit3A_475, %eq3A_476 : i32
      %jit3A_478 = arith.constant 1 : i32
      %select_n3A_479 = arith.select %eq3A_477, %jit3A_478, %jit3A_475 : i32
      %rem3A_480 = arith.remsi %add3A_432, %select_n3A_479 : i32
      %ne3A_481 = arith.constant 0 : i32
      %ne3A_482 = arith.cmpi ne, %rem3A_480, %ne3A_481 : i32
      %lt3A_483 = arith.constant 0 : i32
      %lt3A_484 = arith.cmpi slt, %rem3A_480, %lt3A_483 : i32
      %lt3A_485 = arith.constant 0 : i32
      %lt3A_486 = arith.cmpi slt, %select_n3A_479, %lt3A_485 : i32
      %ne3A_487 = arith.xori %lt3A_484, %lt3A_486 : i1
      %and3A_488 = arith.andi %ne3A_487, %ne3A_482 : i1
      %add3A_489 = arith.addi %rem3A_480, %select_n3A_479 : i32
      %select_n3A_490 = arith.select %and3A_488, %add3A_489, %rem3A_480 : i32
      %add3A_491 = arith.constant 0 : i32
      %add3A_492 = arith.addi %mul3A_31, %add3A_491 : i32
      %mul3A_493 = arith.constant 4 : i32
      %mul3A_494 = arith.muli %mul3A_493, %select_n3A_490 : i32
      %dma_start3A_495 = arith.constant 0 : i32
      %dma_start3A_496 = arith.constant 0 : i32
      %dma_start3A_497 = arith.constant 0 : i32
      %dma_start3A_498 = arith.constant 0 : i32
      %dma_start3A_499 = tpu.memref_slice %arg12[%dma_start3A_495, %dma_start3A_496, %dma_start3A_497, %dma_start3A_498] : memref<4x4x8x128xf32, #tpu.memory_space<vmem>> -> memref<1x4x8x128xf32, #tpu.memory_space<vmem>>
      %dma_start3A_500 = tpu.memref_squeeze %dma_start3A_499 : memref<1x4x8x128xf32, #tpu.memory_space<vmem>> -> memref<4x8x128xf32, #tpu.memory_space<vmem>>
      %dma_start3A_501 = arith.constant 0 : i32
      %dma_start3A_502 = arith.constant 0 : i32
      %dma_start3A_503 = tpu.memref_slice %arg4[%select_n3A, %add3A_492, %add3A_474, %mul3A_494, %dma_start3A_501, %dma_start3A_502] : memref<2x8x256x16x8x128xf32, #tpu.memory_space<hbm>> -> memref<1x1x1x4x8x128xf32, #tpu.memory_space<hbm>>
      %dma_start3A_504 = tpu.memref_squeeze %dma_start3A_503 : memref<1x1x1x4x8x128xf32, #tpu.memory_space<hbm>> -> memref<4x8x128xf32, #tpu.memory_space<hbm>>
      %dma_start3A_505 = arith.constant 0 : i32
      %dma_start3A_506 = arith.constant 0 : i32
      %dma_start3A_507 = tpu.memref_slice %arg4[%select_n3A, %add3A_492, %add3A_474, %mul3A_494, %dma_start3A_505, %dma_start3A_506] : memref<2x8x256x16x8x128xf32, #tpu.memory_space<hbm>> -> memref<1x1x1x4x8x128xf32, #tpu.memory_space<hbm>>
      %dma_start3A_508 = tpu.memref_squeeze %dma_start3A_507 : memref<1x1x1x4x8x128xf32, #tpu.memory_space<hbm>> -> memref<4x8x128xf32, #tpu.memory_space<hbm>>
      %dma_start3A_509 = arith.constant 0 : i32
      %dma_start3A_510 = arith.constant 0 : i32
      %dma_start3A_511 = arith.constant 0 : i32
      %dma_start3A_512 = tpu.memref_slice %arg12[%dma_start3A_495, %dma_start3A_509, %dma_start3A_510, %dma_start3A_511] : memref<4x4x8x128xf32, #tpu.memory_space<vmem>> -> memref<1x4x8x128xf32, #tpu.memory_space<vmem>>
      %dma_start3A_513 = tpu.memref_squeeze %dma_start3A_512 : memref<1x4x8x128xf32, #tpu.memory_space<vmem>> -> memref<4x8x128xf32, #tpu.memory_space<vmem>>
      tpu.enqueue_dma source(%dma_start3A_513 : memref<4x8x128xf32, #tpu.memory_space<vmem>>) target(%dma_start3A_508 : memref<4x8x128xf32, #tpu.memory_space<hbm>>) target_semaphore(%arg16 : memref<!tpu.dma_semaphore, #tpu.memory_space<semaphore_mem>>)
      %add3A_514 = arith.constant 1 : i32
      %add3A_515 = arith.addi %mul3A_31, %add3A_514 : i32
      %mul3A_516 = arith.constant 4 : i32
      %mul3A_517 = arith.muli %mul3A_516, %select_n3A_490 : i32
      %dma_start3A_518 = arith.constant 1 : i32
      %dma_start3A_519 = arith.constant 0 : i32
      %dma_start3A_520 = arith.constant 0 : i32
      %dma_start3A_521 = arith.constant 0 : i32
      %dma_start3A_522 = tpu.memref_slice %arg12[%dma_start3A_518, %dma_start3A_519, %dma_start3A_520, %dma_start3A_521] : memref<4x4x8x128xf32, #tpu.memory_space<vmem>> -> memref<1x4x8x128xf32, #tpu.memory_space<vmem>>
      %dma_start3A_523 = tpu.memref_squeeze %dma_start3A_522 : memref<1x4x8x128xf32, #tpu.memory_space<vmem>> -> memref<4x8x128xf32, #tpu.memory_space<vmem>>
      %dma_start3A_524 = arith.constant 0 : i32
      %dma_start3A_525 = arith.constant 0 : i32
      %dma_start3A_526 = tpu.memref_slice %arg4[%select_n3A, %add3A_515, %add3A_474, %mul3A_517, %dma_start3A_524, %dma_start3A_525] : memref<2x8x256x16x8x128xf32, #tpu.memory_space<hbm>> -> memref<1x1x1x4x8x128xf32, #tpu.memory_space<hbm>>
      %dma_start3A_527 = tpu.memref_squeeze %dma_start3A_526 : memref<1x1x1x4x8x128xf32, #tpu.memory_space<hbm>> -> memref<4x8x128xf32, #tpu.memory_space<hbm>>
      %dma_start3A_528 = arith.constant 0 : i32
      %dma_start3A_529 = arith.constant 0 : i32
      %dma_start3A_530 = tpu.memref_slice %arg4[%select_n3A, %add3A_515, %add3A_474, %mul3A_517, %dma_start3A_528, %dma_start3A_529] : memref<2x8x256x16x8x128xf32, #tpu.memory_space<hbm>> -> memref<1x1x1x4x8x128xf32, #tpu.memory_space<hbm>>
      %dma_start3A_531 = tpu.memref_squeeze %dma_start3A_530 : memref<1x1x1x4x8x128xf32, #tpu.memory_space<hbm>> -> memref<4x8x128xf32, #tpu.memory_space<hbm>>
      %dma_start3A_532 = arith.constant 0 : i32
      %dma_start3A_533 = arith.constant 0 : i32
      %dma_start3A_534 = arith.constant 0 : i32
      %dma_start3A_535 = tpu.memref_slice %arg12[%dma_start3A_518, %dma_start3A_532, %dma_start3A_533, %dma_start3A_534] : memref<4x4x8x128xf32, #tpu.memory_space<vmem>> -> memref<1x4x8x128xf32, #tpu.memory_space<vmem>>
      %dma_start3A_536 = tpu.memref_squeeze %dma_start3A_535 : memref<1x4x8x128xf32, #tpu.memory_space<vmem>> -> memref<4x8x128xf32, #tpu.memory_space<vmem>>
      tpu.enqueue_dma source(%dma_start3A_536 : memref<4x8x128xf32, #tpu.memory_space<vmem>>) target(%dma_start3A_531 : memref<4x8x128xf32, #tpu.memory_space<hbm>>) target_semaphore(%arg16 : memref<!tpu.dma_semaphore, #tpu.memory_space<semaphore_mem>>)
      %add3A_537 = arith.constant 2 : i32
      %add3A_538 = arith.addi %mul3A_31, %add3A_537 : i32
      %mul3A_539 = arith.constant 4 : i32
      %mul3A_540 = arith.muli %mul3A_539, %select_n3A_490 : i32
      %dma_start3A_541 = arith.constant 2 : i32
      %dma_start3A_542 = arith.constant 0 : i32
      %dma_start3A_543 = arith.constant 0 : i32
      %dma_start3A_544 = arith.constant 0 : i32
      %dma_start3A_545 = tpu.memref_slice %arg12[%dma_start3A_541, %dma_start3A_542, %dma_start3A_543, %dma_start3A_544] : memref<4x4x8x128xf32, #tpu.memory_space<vmem>> -> memref<1x4x8x128xf32, #tpu.memory_space<vmem>>
      %dma_start3A_546 = tpu.memref_squeeze %dma_start3A_545 : memref<1x4x8x128xf32, #tpu.memory_space<vmem>> -> memref<4x8x128xf32, #tpu.memory_space<vmem>>
      %dma_start3A_547 = arith.constant 0 : i32
      %dma_start3A_548 = arith.constant 0 : i32
      %dma_start3A_549 = tpu.memref_slice %arg4[%select_n3A, %add3A_538, %add3A_474, %mul3A_540, %dma_start3A_547, %dma_start3A_548] : memref<2x8x256x16x8x128xf32, #tpu.memory_space<hbm>> -> memref<1x1x1x4x8x128xf32, #tpu.memory_space<hbm>>
      %dma_start3A_550 = tpu.memref_squeeze %dma_start3A_549 : memref<1x1x1x4x8x128xf32, #tpu.memory_space<hbm>> -> memref<4x8x128xf32, #tpu.memory_space<hbm>>
      %dma_start3A_551 = arith.constant 0 : i32
      %dma_start3A_552 = arith.constant 0 : i32
      %dma_start3A_553 = tpu.memref_slice %arg4[%select_n3A, %add3A_538, %add3A_474, %mul3A_540, %dma_start3A_551, %dma_start3A_552] : memref<2x8x256x16x8x128xf32, #tpu.memory_space<hbm>> -> memref<1x1x1x4x8x128xf32, #tpu.memory_space<hbm>>
      %dma_start3A_554 = tpu.memref_squeeze %dma_start3A_553 : memref<1x1x1x4x8x128xf32, #tpu.memory_space<hbm>> -> memref<4x8x128xf32, #tpu.memory_space<hbm>>
      %dma_start3A_555 = arith.constant 0 : i32
      %dma_start3A_556 = arith.constant 0 : i32
      %dma_start3A_557 = arith.constant 0 : i32
      %dma_start3A_558 = tpu.memref_slice %arg12[%dma_start3A_541, %dma_start3A_555, %dma_start3A_556, %dma_start3A_557] : memref<4x4x8x128xf32, #tpu.memory_space<vmem>> -> memref<1x4x8x128xf32, #tpu.memory_space<vmem>>
      %dma_start3A_559 = tpu.memref_squeeze %dma_start3A_558 : memref<1x4x8x128xf32, #tpu.memory_space<vmem>> -> memref<4x8x128xf32, #tpu.memory_space<vmem>>
      tpu.enqueue_dma source(%dma_start3A_559 : memref<4x8x128xf32, #tpu.memory_space<vmem>>) target(%dma_start3A_554 : memref<4x8x128xf32, #tpu.memory_space<hbm>>) target_semaphore(%arg16 : memref<!tpu.dma_semaphore, #tpu.memory_space<semaphore_mem>>)
      %add3A_560 = arith.constant 3 : i32
      %add3A_561 = arith.addi %mul3A_31, %add3A_560 : i32
      %mul3A_562 = arith.constant 4 : i32
      %mul3A_563 = arith.muli %mul3A_562, %select_n3A_490 : i32
      %dma_start3A_564 = arith.constant 3 : i32
      %dma_start3A_565 = arith.constant 0 : i32
      %dma_start3A_566 = arith.constant 0 : i32
      %dma_start3A_567 = arith.constant 0 : i32
      %dma_start3A_568 = tpu.memref_slice %arg12[%dma_start3A_564, %dma_start3A_565, %dma_start3A_566, %dma_start3A_567] : memref<4x4x8x128xf32, #tpu.memory_space<vmem>> -> memref<1x4x8x128xf32, #tpu.memory_space<vmem>>
      %dma_start3A_569 = tpu.memref_squeeze %dma_start3A_568 : memref<1x4x8x128xf32, #tpu.memory_space<vmem>> -> memref<4x8x128xf32, #tpu.memory_space<vmem>>
      %dma_start3A_570 = arith.constant 0 : i32
      %dma_start3A_571 = arith.constant 0 : i32
      %dma_start3A_572 = tpu.memref_slice %arg4[%select_n3A, %add3A_561, %add3A_474, %mul3A_563, %dma_start3A_570, %dma_start3A_571] : memref<2x8x256x16x8x128xf32, #tpu.memory_space<hbm>> -> memref<1x1x1x4x8x128xf32, #tpu.memory_space<hbm>>
      %dma_start3A_573 = tpu.memref_squeeze %dma_start3A_572 : memref<1x1x1x4x8x128xf32, #tpu.memory_space<hbm>> -> memref<4x8x128xf32, #tpu.memory_space<hbm>>
      %dma_start3A_574 = arith.constant 0 : i32
      %dma_start3A_575 = arith.constant 0 : i32
      %dma_start3A_576 = tpu.memref_slice %arg4[%select_n3A, %add3A_561, %add3A_474, %mul3A_563, %dma_start3A_574, %dma_start3A_575] : memref<2x8x256x16x8x128xf32, #tpu.memory_space<hbm>> -> memref<1x1x1x4x8x128xf32, #tpu.memory_space<hbm>>
      %dma_start3A_577 = tpu.memref_squeeze %dma_start3A_576 : memref<1x1x1x4x8x128xf32, #tpu.memory_space<hbm>> -> memref<4x8x128xf32, #tpu.memory_space<hbm>>
      %dma_start3A_578 = arith.constant 0 : i32
      %dma_start3A_579 = arith.constant 0 : i32
      %dma_start3A_580 = arith.constant 0 : i32
      %dma_start3A_581 = tpu.memref_slice %arg12[%dma_start3A_564, %dma_start3A_578, %dma_start3A_579, %dma_start3A_580] : memref<4x4x8x128xf32, #tpu.memory_space<vmem>> -> memref<1x4x8x128xf32, #tpu.memory_space<vmem>>
      %dma_start3A_582 = tpu.memref_squeeze %dma_start3A_581 : memref<1x4x8x128xf32, #tpu.memory_space<vmem>> -> memref<4x8x128xf32, #tpu.memory_space<vmem>>
      tpu.enqueue_dma source(%dma_start3A_582 : memref<4x8x128xf32, #tpu.memory_space<vmem>>) target(%dma_start3A_577 : memref<4x8x128xf32, #tpu.memory_space<hbm>>) target_semaphore(%arg16 : memref<!tpu.dma_semaphore, #tpu.memory_space<semaphore_mem>>)
      %lt3A_583 = arith.constant 63 : i32
      %lt3A_584 = arith.cmpi slt, %scan3A_272, %lt3A_583 : i32
      %convert_element_type3A_585 = arith.extui %lt3A_584 : i1 to i32
      %cond3A_586 = arith.constant 0 : i32
      %cond3A_587 = arith.cmpi ne, %convert_element_type3A_585, %cond3A_586 : i32
      scf.if %cond3A_587 {
        %add3A_589 = arith.constant 2 : i32
        %add3A_590 = arith.addi %add3A_432, %add3A_589 : i32
        %jit3A_591 = arith.constant 4 : i32
        %div3A_592 = arith.divsi %add3A_590, %jit3A_591 : i32
        %sign3A_593 = arith.constant 0 : i32
        %sign3A_594 = arith.cmpi sgt, %add3A_590, %sign3A_593 : i32
        %sign3A_595 = arith.extui %sign3A_594 : i1 to i32
        %sign3A_596 = arith.constant 0 : i32
        %sign3A_597 = arith.cmpi slt, %add3A_590, %sign3A_596 : i32
        %sign3A_598 = arith.extui %sign3A_597 : i1 to i32
        %sign3A_599 = arith.subi %sign3A_595, %sign3A_598 : i32
        %sign3A_600 = arith.constant 0 : i32
        %sign3A_601 = arith.cmpi sgt, %jit3A_591, %sign3A_600 : i32
        %sign3A_602 = arith.extui %sign3A_601 : i1 to i32
        %sign3A_603 = arith.constant 0 : i32
        %sign3A_604 = arith.cmpi slt, %jit3A_591, %sign3A_603 : i32
        %sign3A_605 = arith.extui %sign3A_604 : i1 to i32
        %sign3A_606 = arith.subi %sign3A_602, %sign3A_605 : i32
        %ne3A_607 = arith.cmpi ne, %sign3A_599, %sign3A_606 : i32
        %rem3A_608 = arith.remsi %add3A_590, %jit3A_591 : i32
        %ne3A_609 = arith.constant 0 : i32
        %ne3A_610 = arith.cmpi ne, %rem3A_608, %ne3A_609 : i32
        %and3A_611 = arith.andi %ne3A_607, %ne3A_610 : i1
        %sub3A_612 = arith.constant 1 : i32
        %sub3A_613 = arith.subi %div3A_592, %sub3A_612 : i32
        %select_n3A_614 = arith.select %and3A_611, %sub3A_613, %div3A_592 : i32
        %add3A_615 = arith.addi %mul3A_29, %select_n3A_614 : i32
        %jit3A_616 = arith.constant 4 : i32
        %eq3A_617 = arith.constant 0 : i32
        %eq3A_618 = arith.cmpi eq, %jit3A_616, %eq3A_617 : i32
        %jit3A_619 = arith.constant 1 : i32
        %select_n3A_620 = arith.select %eq3A_618, %jit3A_619, %jit3A_616 : i32
        %rem3A_621 = arith.remsi %add3A_590, %select_n3A_620 : i32
        %ne3A_622 = arith.constant 0 : i32
        %ne3A_623 = arith.cmpi ne, %rem3A_621, %ne3A_622 : i32
        %lt3A_624 = arith.constant 0 : i32
        %lt3A_625 = arith.cmpi slt, %rem3A_621, %lt3A_624 : i32
        %lt3A_626 = arith.constant 0 : i32
        %lt3A_627 = arith.cmpi slt, %select_n3A_620, %lt3A_626 : i32
        %ne3A_628 = arith.xori %lt3A_625, %lt3A_627 : i1
        %and3A_629 = arith.andi %ne3A_628, %ne3A_623 : i1
        %add3A_630 = arith.addi %rem3A_621, %select_n3A_620 : i32
        %select_n3A_631 = arith.select %and3A_629, %add3A_630, %rem3A_621 : i32
        %mul3A_632 = arith.constant 8 : i32
        %mul3A_633 = arith.muli %mul3A_632, %add3A_615 : i32
        %mul3A_634 = arith.constant 512 : i32
        %mul3A_635 = arith.muli %mul3A_634, %select_n3A_631 : i32
        %dma_start3A_636 = tpu.memref_slice %arg2[%select_n3A, %mul3A_633, %mul3A_635] : memref<2x2048x2048xi32, #tpu.memory_space<hbm>> -> memref<1x8x512xi32, #tpu.memory_space<hbm>>
        %dma_start3A_637 = tpu.memref_squeeze %dma_start3A_636 : memref<1x8x512xi32, #tpu.memory_space<hbm>> -> memref<8x512xi32, #tpu.memory_space<hbm>>
        %dma_start3A_638 = tpu.memref_slice %arg2[%select_n3A, %mul3A_633, %mul3A_635] : memref<2x2048x2048xi32, #tpu.memory_space<hbm>> -> memref<1x8x512xi32, #tpu.memory_space<hbm>>
        %dma_start3A_639 = tpu.memref_squeeze %dma_start3A_638 : memref<1x8x512xi32, #tpu.memory_space<hbm>> -> memref<8x512xi32, #tpu.memory_space<hbm>>
        tpu.enqueue_dma source(%dma_start3A_639 : memref<8x512xi32, #tpu.memory_space<hbm>>) target(%arg10 : memref<8x512xi32, #tpu.memory_space<vmem>>) target_semaphore(%arg14 : memref<!tpu.dma_semaphore, #tpu.memory_space<semaphore_mem>>)
      } else {
      }
      %scan3A_588 = arith.constant 0 : i32
      scf.yield %scan3A_588 : i32
    }
    %scan3A_80 = arith.constant 64 : i32
    %dma_wait3A = arith.constant 0 : i32
    %dma_wait3A_81 = arith.constant 0 : i32
    %dma_wait3A_82 = arith.constant 0 : i32
    %dma_wait3A_83 = arith.constant 0 : i32
    %dma_wait3A_84 = arith.constant 0 : i32
    %dma_wait3A_85 = arith.constant 0 : i32
    %dma_wait3A_86 = arith.constant 0 : i32
    %dma_wait3A_87 = tpu.memref_slice %arg11[%dma_wait3A, %dma_wait3A_84, %dma_wait3A_85, %dma_wait3A_86] : memref<4x4x8x128xf32, #tpu.memory_space<vmem>> -> memref<1x4x8x128xf32, #tpu.memory_space<vmem>>
    %dma_wait3A_88 = tpu.memref_squeeze %dma_wait3A_87 : memref<1x4x8x128xf32, #tpu.memory_space<vmem>> -> memref<4x8x128xf32, #tpu.memory_space<vmem>>
    %dma_wait3A_89 = arith.constant 0 : i32
    %dma_wait3A_90 = arith.constant 0 : i32
    %dma_wait3A_91 = arith.constant 0 : i32
    %dma_wait3A_92 = tpu.memref_slice %arg4[%dma_wait3A_81, %dma_wait3A_82, %dma_wait3A_83, %dma_wait3A_89, %dma_wait3A_90, %dma_wait3A_91] : memref<2x8x256x16x8x128xf32, #tpu.memory_space<hbm>> -> memref<1x1x1x4x8x128xf32, #tpu.memory_space<hbm>>
    %dma_wait3A_93 = tpu.memref_squeeze %dma_wait3A_92 : memref<1x1x1x4x8x128xf32, #tpu.memory_space<hbm>> -> memref<4x8x128xf32, #tpu.memory_space<hbm>>
    %dma_wait3A_94 = arith.constant 0 : i32
    %dma_wait3A_95 = arith.constant 0 : i32
    %dma_wait3A_96 = arith.constant 0 : i32
    %dma_wait3A_97 = tpu.memref_slice %arg4[%dma_wait3A_81, %dma_wait3A_82, %dma_wait3A_83, %dma_wait3A_94, %dma_wait3A_95, %dma_wait3A_96] : memref<2x8x256x16x8x128xf32, #tpu.memory_space<hbm>> -> memref<1x1x1x4x8x128xf32, #tpu.memory_space<hbm>>
    %dma_wait3A_98 = tpu.memref_squeeze %dma_wait3A_97 : memref<1x1x1x4x8x128xf32, #tpu.memory_space<hbm>> -> memref<4x8x128xf32, #tpu.memory_space<hbm>>
    %dma_wait3A_99 = arith.constant 0 : i32
    %dma_wait3A_100 = arith.constant 0 : i32
    %dma_wait3A_101 = arith.constant 0 : i32
    %dma_wait3A_102 = tpu.memref_slice %arg11[%dma_wait3A, %dma_wait3A_99, %dma_wait3A_100, %dma_wait3A_101] : memref<4x4x8x128xf32, #tpu.memory_space<vmem>> -> memref<1x4x8x128xf32, #tpu.memory_space<vmem>>
    %dma_wait3A_103 = tpu.memref_squeeze %dma_wait3A_102 : memref<1x4x8x128xf32, #tpu.memory_space<vmem>> -> memref<4x8x128xf32, #tpu.memory_space<vmem>>
    tpu.wait_dma2 semaphore(%arg15 : memref<!tpu.dma_semaphore, #tpu.memory_space<semaphore_mem>>) src(%dma_wait3A_103 : memref<4x8x128xf32, #tpu.memory_space<vmem>>) dst(%dma_wait3A_98 : memref<4x8x128xf32, #tpu.memory_space<hbm>>)
    %dma_wait3A_104 = arith.constant 1 : i32
    %dma_wait3A_105 = arith.constant 0 : i32
    %dma_wait3A_106 = arith.constant 0 : i32
    %dma_wait3A_107 = arith.constant 0 : i32
    %dma_wait3A_108 = arith.constant 0 : i32
    %dma_wait3A_109 = arith.constant 0 : i32
    %dma_wait3A_110 = arith.constant 0 : i32
    %dma_wait3A_111 = tpu.memref_slice %arg11[%dma_wait3A_104, %dma_wait3A_108, %dma_wait3A_109, %dma_wait3A_110] : memref<4x4x8x128xf32, #tpu.memory_space<vmem>> -> memref<1x4x8x128xf32, #tpu.memory_space<vmem>>
    %dma_wait3A_112 = tpu.memref_squeeze %dma_wait3A_111 : memref<1x4x8x128xf32, #tpu.memory_space<vmem>> -> memref<4x8x128xf32, #tpu.memory_space<vmem>>
    %dma_wait3A_113 = arith.constant 0 : i32
    %dma_wait3A_114 = arith.constant 0 : i32
    %dma_wait3A_115 = arith.constant 0 : i32
    %dma_wait3A_116 = tpu.memref_slice %arg4[%dma_wait3A_105, %dma_wait3A_106, %dma_wait3A_107, %dma_wait3A_113, %dma_wait3A_114, %dma_wait3A_115] : memref<2x8x256x16x8x128xf32, #tpu.memory_space<hbm>> -> memref<1x1x1x4x8x128xf32, #tpu.memory_space<hbm>>
    %dma_wait3A_117 = tpu.memref_squeeze %dma_wait3A_116 : memref<1x1x1x4x8x128xf32, #tpu.memory_space<hbm>> -> memref<4x8x128xf32, #tpu.memory_space<hbm>>
    %dma_wait3A_118 = arith.constant 0 : i32
    %dma_wait3A_119 = arith.constant 0 : i32
    %dma_wait3A_120 = arith.constant 0 : i32
    %dma_wait3A_121 = tpu.memref_slice %arg4[%dma_wait3A_105, %dma_wait3A_106, %dma_wait3A_107, %dma_wait3A_118, %dma_wait3A_119, %dma_wait3A_120] : memref<2x8x256x16x8x128xf32, #tpu.memory_space<hbm>> -> memref<1x1x1x4x8x128xf32, #tpu.memory_space<hbm>>
    %dma_wait3A_122 = tpu.memref_squeeze %dma_wait3A_121 : memref<1x1x1x4x8x128xf32, #tpu.memory_space<hbm>> -> memref<4x8x128xf32, #tpu.memory_space<hbm>>
    %dma_wait3A_123 = arith.constant 0 : i32
    %dma_wait3A_124 = arith.constant 0 : i32
    %dma_wait3A_125 = arith.constant 0 : i32
    %dma_wait3A_126 = tpu.memref_slice %arg11[%dma_wait3A_104, %dma_wait3A_123, %dma_wait3A_124, %dma_wait3A_125] : memref<4x4x8x128xf32, #tpu.memory_space<vmem>> -> memref<1x4x8x128xf32, #tpu.memory_space<vmem>>
    %dma_wait3A_127 = tpu.memref_squeeze %dma_wait3A_126 : memref<1x4x8x128xf32, #tpu.memory_space<vmem>> -> memref<4x8x128xf32, #tpu.memory_space<vmem>>
    tpu.wait_dma2 semaphore(%arg15 : memref<!tpu.dma_semaphore, #tpu.memory_space<semaphore_mem>>) src(%dma_wait3A_127 : memref<4x8x128xf32, #tpu.memory_space<vmem>>) dst(%dma_wait3A_122 : memref<4x8x128xf32, #tpu.memory_space<hbm>>)
    %dma_wait3A_128 = arith.constant 2 : i32
    %dma_wait3A_129 = arith.constant 0 : i32
    %dma_wait3A_130 = arith.constant 0 : i32
    %dma_wait3A_131 = arith.constant 0 : i32
    %dma_wait3A_132 = arith.constant 0 : i32
    %dma_wait3A_133 = arith.constant 0 : i32
    %dma_wait3A_134 = arith.constant 0 : i32
    %dma_wait3A_135 = tpu.memref_slice %arg11[%dma_wait3A_128, %dma_wait3A_132, %dma_wait3A_133, %dma_wait3A_134] : memref<4x4x8x128xf32, #tpu.memory_space<vmem>> -> memref<1x4x8x128xf32, #tpu.memory_space<vmem>>
    %dma_wait3A_136 = tpu.memref_squeeze %dma_wait3A_135 : memref<1x4x8x128xf32, #tpu.memory_space<vmem>> -> memref<4x8x128xf32, #tpu.memory_space<vmem>>
    %dma_wait3A_137 = arith.constant 0 : i32
    %dma_wait3A_138 = arith.constant 0 : i32
    %dma_wait3A_139 = arith.constant 0 : i32
    %dma_wait3A_140 = tpu.memref_slice %arg4[%dma_wait3A_129, %dma_wait3A_130, %dma_wait3A_131, %dma_wait3A_137, %dma_wait3A_138, %dma_wait3A_139] : memref<2x8x256x16x8x128xf32, #tpu.memory_space<hbm>> -> memref<1x1x1x4x8x128xf32, #tpu.memory_space<hbm>>
    %dma_wait3A_141 = tpu.memref_squeeze %dma_wait3A_140 : memref<1x1x1x4x8x128xf32, #tpu.memory_space<hbm>> -> memref<4x8x128xf32, #tpu.memory_space<hbm>>
    %dma_wait3A_142 = arith.constant 0 : i32
    %dma_wait3A_143 = arith.constant 0 : i32
    %dma_wait3A_144 = arith.constant 0 : i32
    %dma_wait3A_145 = tpu.memref_slice %arg4[%dma_wait3A_129, %dma_wait3A_130, %dma_wait3A_131, %dma_wait3A_142, %dma_wait3A_143, %dma_wait3A_144] : memref<2x8x256x16x8x128xf32, #tpu.memory_space<hbm>> -> memref<1x1x1x4x8x128xf32, #tpu.memory_space<hbm>>
    %dma_wait3A_146 = tpu.memref_squeeze %dma_wait3A_145 : memref<1x1x1x4x8x128xf32, #tpu.memory_space<hbm>> -> memref<4x8x128xf32, #tpu.memory_space<hbm>>
    %dma_wait3A_147 = arith.constant 0 : i32
    %dma_wait3A_148 = arith.constant 0 : i32
    %dma_wait3A_149 = arith.constant 0 : i32
    %dma_wait3A_150 = tpu.memref_slice %arg11[%dma_wait3A_128, %dma_wait3A_147, %dma_wait3A_148, %dma_wait3A_149] : memref<4x4x8x128xf32, #tpu.memory_space<vmem>> -> memref<1x4x8x128xf32, #tpu.memory_space<vmem>>
    %dma_wait3A_151 = tpu.memref_squeeze %dma_wait3A_150 : memref<1x4x8x128xf32, #tpu.memory_space<vmem>> -> memref<4x8x128xf32, #tpu.memory_space<vmem>>
    tpu.wait_dma2 semaphore(%arg15 : memref<!tpu.dma_semaphore, #tpu.memory_space<semaphore_mem>>) src(%dma_wait3A_151 : memref<4x8x128xf32, #tpu.memory_space<vmem>>) dst(%dma_wait3A_146 : memref<4x8x128xf32, #tpu.memory_space<hbm>>)
    %dma_wait3A_152 = arith.constant 3 : i32
    %dma_wait3A_153 = arith.constant 0 : i32
    %dma_wait3A_154 = arith.constant 0 : i32
    %dma_wait3A_155 = arith.constant 0 : i32
    %dma_wait3A_156 = arith.constant 0 : i32
    %dma_wait3A_157 = arith.constant 0 : i32
    %dma_wait3A_158 = arith.constant 0 : i32
    %dma_wait3A_159 = tpu.memref_slice %arg11[%dma_wait3A_152, %dma_wait3A_156, %dma_wait3A_157, %dma_wait3A_158] : memref<4x4x8x128xf32, #tpu.memory_space<vmem>> -> memref<1x4x8x128xf32, #tpu.memory_space<vmem>>
    %dma_wait3A_160 = tpu.memref_squeeze %dma_wait3A_159 : memref<1x4x8x128xf32, #tpu.memory_space<vmem>> -> memref<4x8x128xf32, #tpu.memory_space<vmem>>
    %dma_wait3A_161 = arith.constant 0 : i32
    %dma_wait3A_162 = arith.constant 0 : i32
    %dma_wait3A_163 = arith.constant 0 : i32
    %dma_wait3A_164 = tpu.memref_slice %arg4[%dma_wait3A_153, %dma_wait3A_154, %dma_wait3A_155, %dma_wait3A_161, %dma_wait3A_162, %dma_wait3A_163] : memref<2x8x256x16x8x128xf32, #tpu.memory_space<hbm>> -> memref<1x1x1x4x8x128xf32, #tpu.memory_space<hbm>>
    %dma_wait3A_165 = tpu.memref_squeeze %dma_wait3A_164 : memref<1x1x1x4x8x128xf32, #tpu.memory_space<hbm>> -> memref<4x8x128xf32, #tpu.memory_space<hbm>>
    %dma_wait3A_166 = arith.constant 0 : i32
    %dma_wait3A_167 = arith.constant 0 : i32
    %dma_wait3A_168 = arith.constant 0 : i32
    %dma_wait3A_169 = tpu.memref_slice %arg4[%dma_wait3A_153, %dma_wait3A_154, %dma_wait3A_155, %dma_wait3A_166, %dma_wait3A_167, %dma_wait3A_168] : memref<2x8x256x16x8x128xf32, #tpu.memory_space<hbm>> -> memref<1x1x1x4x8x128xf32, #tpu.memory_space<hbm>>
    %dma_wait3A_170 = tpu.memref_squeeze %dma_wait3A_169 : memref<1x1x1x4x8x128xf32, #tpu.memory_space<hbm>> -> memref<4x8x128xf32, #tpu.memory_space<hbm>>
    %dma_wait3A_171 = arith.constant 0 : i32
    %dma_wait3A_172 = arith.constant 0 : i32
    %dma_wait3A_173 = arith.constant 0 : i32
    %dma_wait3A_174 = tpu.memref_slice %arg11[%dma_wait3A_152, %dma_wait3A_171, %dma_wait3A_172, %dma_wait3A_173] : memref<4x4x8x128xf32, #tpu.memory_space<vmem>> -> memref<1x4x8x128xf32, #tpu.memory_space<vmem>>
    %dma_wait3A_175 = tpu.memref_squeeze %dma_wait3A_174 : memref<1x4x8x128xf32, #tpu.memory_space<vmem>> -> memref<4x8x128xf32, #tpu.memory_space<vmem>>
    tpu.wait_dma2 semaphore(%arg15 : memref<!tpu.dma_semaphore, #tpu.memory_space<semaphore_mem>>) src(%dma_wait3A_175 : memref<4x8x128xf32, #tpu.memory_space<vmem>>) dst(%dma_wait3A_170 : memref<4x8x128xf32, #tpu.memory_space<hbm>>)
    %dma_wait3A_176 = arith.constant 0 : i32
    %dma_wait3A_177 = arith.constant 0 : i32
    %dma_wait3A_178 = arith.constant 0 : i32
    %dma_wait3A_179 = arith.constant 0 : i32
    %dma_wait3A_180 = arith.constant 0 : i32
    %dma_wait3A_181 = arith.constant 0 : i32
    %dma_wait3A_182 = arith.constant 0 : i32
    %dma_wait3A_183 = tpu.memref_slice %arg12[%dma_wait3A_176, %dma_wait3A_180, %dma_wait3A_181, %dma_wait3A_182] : memref<4x4x8x128xf32, #tpu.memory_space<vmem>> -> memref<1x4x8x128xf32, #tpu.memory_space<vmem>>
    %dma_wait3A_184 = tpu.memref_squeeze %dma_wait3A_183 : memref<1x4x8x128xf32, #tpu.memory_space<vmem>> -> memref<4x8x128xf32, #tpu.memory_space<vmem>>
    %dma_wait3A_185 = arith.constant 0 : i32
    %dma_wait3A_186 = arith.constant 0 : i32
    %dma_wait3A_187 = arith.constant 0 : i32
    %dma_wait3A_188 = tpu.memref_slice %arg4[%dma_wait3A_177, %dma_wait3A_178, %dma_wait3A_179, %dma_wait3A_185, %dma_wait3A_186, %dma_wait3A_187] : memref<2x8x256x16x8x128xf32, #tpu.memory_space<hbm>> -> memref<1x1x1x4x8x128xf32, #tpu.memory_space<hbm>>
    %dma_wait3A_189 = tpu.memref_squeeze %dma_wait3A_188 : memref<1x1x1x4x8x128xf32, #tpu.memory_space<hbm>> -> memref<4x8x128xf32, #tpu.memory_space<hbm>>
    %dma_wait3A_190 = arith.constant 0 : i32
    %dma_wait3A_191 = arith.constant 0 : i32
    %dma_wait3A_192 = arith.constant 0 : i32
    %dma_wait3A_193 = tpu.memref_slice %arg4[%dma_wait3A_177, %dma_wait3A_178, %dma_wait3A_179, %dma_wait3A_190, %dma_wait3A_191, %dma_wait3A_192] : memref<2x8x256x16x8x128xf32, #tpu.memory_space<hbm>> -> memref<1x1x1x4x8x128xf32, #tpu.memory_space<hbm>>
    %dma_wait3A_194 = tpu.memref_squeeze %dma_wait3A_193 : memref<1x1x1x4x8x128xf32, #tpu.memory_space<hbm>> -> memref<4x8x128xf32, #tpu.memory_space<hbm>>
    %dma_wait3A_195 = arith.constant 0 : i32
    %dma_wait3A_196 = arith.constant 0 : i32
    %dma_wait3A_197 = arith.constant 0 : i32
    %dma_wait3A_198 = tpu.memref_slice %arg12[%dma_wait3A_176, %dma_wait3A_195, %dma_wait3A_196, %dma_wait3A_197] : memref<4x4x8x128xf32, #tpu.memory_space<vmem>> -> memref<1x4x8x128xf32, #tpu.memory_space<vmem>>
    %dma_wait3A_199 = tpu.memref_squeeze %dma_wait3A_198 : memref<1x4x8x128xf32, #tpu.memory_space<vmem>> -> memref<4x8x128xf32, #tpu.memory_space<vmem>>
    tpu.wait_dma2 semaphore(%arg16 : memref<!tpu.dma_semaphore, #tpu.memory_space<semaphore_mem>>) src(%dma_wait3A_199 : memref<4x8x128xf32, #tpu.memory_space<vmem>>) dst(%dma_wait3A_194 : memref<4x8x128xf32, #tpu.memory_space<hbm>>)
    %dma_wait3A_200 = arith.constant 1 : i32
    %dma_wait3A_201 = arith.constant 0 : i32
    %dma_wait3A_202 = arith.constant 0 : i32
    %dma_wait3A_203 = arith.constant 0 : i32
    %dma_wait3A_204 = arith.constant 0 : i32
    %dma_wait3A_205 = arith.constant 0 : i32
    %dma_wait3A_206 = arith.constant 0 : i32
    %dma_wait3A_207 = tpu.memref_slice %arg12[%dma_wait3A_200, %dma_wait3A_204, %dma_wait3A_205, %dma_wait3A_206] : memref<4x4x8x128xf32, #tpu.memory_space<vmem>> -> memref<1x4x8x128xf32, #tpu.memory_space<vmem>>
    %dma_wait3A_208 = tpu.memref_squeeze %dma_wait3A_207 : memref<1x4x8x128xf32, #tpu.memory_space<vmem>> -> memref<4x8x128xf32, #tpu.memory_space<vmem>>
    %dma_wait3A_209 = arith.constant 0 : i32
    %dma_wait3A_210 = arith.constant 0 : i32
    %dma_wait3A_211 = arith.constant 0 : i32
    %dma_wait3A_212 = tpu.memref_slice %arg4[%dma_wait3A_201, %dma_wait3A_202, %dma_wait3A_203, %dma_wait3A_209, %dma_wait3A_210, %dma_wait3A_211] : memref<2x8x256x16x8x128xf32, #tpu.memory_space<hbm>> -> memref<1x1x1x4x8x128xf32, #tpu.memory_space<hbm>>
    %dma_wait3A_213 = tpu.memref_squeeze %dma_wait3A_212 : memref<1x1x1x4x8x128xf32, #tpu.memory_space<hbm>> -> memref<4x8x128xf32, #tpu.memory_space<hbm>>
    %dma_wait3A_214 = arith.constant 0 : i32
    %dma_wait3A_215 = arith.constant 0 : i32
    %dma_wait3A_216 = arith.constant 0 : i32
    %dma_wait3A_217 = tpu.memref_slice %arg4[%dma_wait3A_201, %dma_wait3A_202, %dma_wait3A_203, %dma_wait3A_214, %dma_wait3A_215, %dma_wait3A_216] : memref<2x8x256x16x8x128xf32, #tpu.memory_space<hbm>> -> memref<1x1x1x4x8x128xf32, #tpu.memory_space<hbm>>
    %dma_wait3A_218 = tpu.memref_squeeze %dma_wait3A_217 : memref<1x1x1x4x8x128xf32, #tpu.memory_space<hbm>> -> memref<4x8x128xf32, #tpu.memory_space<hbm>>
    %dma_wait3A_219 = arith.constant 0 : i32
    %dma_wait3A_220 = arith.constant 0 : i32
    %dma_wait3A_221 = arith.constant 0 : i32
    %dma_wait3A_222 = tpu.memref_slice %arg12[%dma_wait3A_200, %dma_wait3A_219, %dma_wait3A_220, %dma_wait3A_221] : memref<4x4x8x128xf32, #tpu.memory_space<vmem>> -> memref<1x4x8x128xf32, #tpu.memory_space<vmem>>
    %dma_wait3A_223 = tpu.memref_squeeze %dma_wait3A_222 : memref<1x4x8x128xf32, #tpu.memory_space<vmem>> -> memref<4x8x128xf32, #tpu.memory_space<vmem>>
    tpu.wait_dma2 semaphore(%arg16 : memref<!tpu.dma_semaphore, #tpu.memory_space<semaphore_mem>>) src(%dma_wait3A_223 : memref<4x8x128xf32, #tpu.memory_space<vmem>>) dst(%dma_wait3A_218 : memref<4x8x128xf32, #tpu.memory_space<hbm>>)
    %dma_wait3A_224 = arith.constant 2 : i32
    %dma_wait3A_225 = arith.constant 0 : i32
    %dma_wait3A_226 = arith.constant 0 : i32
    %dma_wait3A_227 = arith.constant 0 : i32
    %dma_wait3A_228 = arith.constant 0 : i32
    %dma_wait3A_229 = arith.constant 0 : i32
    %dma_wait3A_230 = arith.constant 0 : i32
    %dma_wait3A_231 = tpu.memref_slice %arg12[%dma_wait3A_224, %dma_wait3A_228, %dma_wait3A_229, %dma_wait3A_230] : memref<4x4x8x128xf32, #tpu.memory_space<vmem>> -> memref<1x4x8x128xf32, #tpu.memory_space<vmem>>
    %dma_wait3A_232 = tpu.memref_squeeze %dma_wait3A_231 : memref<1x4x8x128xf32, #tpu.memory_space<vmem>> -> memref<4x8x128xf32, #tpu.memory_space<vmem>>
    %dma_wait3A_233 = arith.constant 0 : i32
    %dma_wait3A_234 = arith.constant 0 : i32
    %dma_wait3A_235 = arith.constant 0 : i32
    %dma_wait3A_236 = tpu.memref_slice %arg4[%dma_wait3A_225, %dma_wait3A_226, %dma_wait3A_227, %dma_wait3A_233, %dma_wait3A_234, %dma_wait3A_235] : memref<2x8x256x16x8x128xf32, #tpu.memory_space<hbm>> -> memref<1x1x1x4x8x128xf32, #tpu.memory_space<hbm>>
    %dma_wait3A_237 = tpu.memref_squeeze %dma_wait3A_236 : memref<1x1x1x4x8x128xf32, #tpu.memory_space<hbm>> -> memref<4x8x128xf32, #tpu.memory_space<hbm>>
    %dma_wait3A_238 = arith.constant 0 : i32
    %dma_wait3A_239 = arith.constant 0 : i32
    %dma_wait3A_240 = arith.constant 0 : i32
    %dma_wait3A_241 = tpu.memref_slice %arg4[%dma_wait3A_225, %dma_wait3A_226, %dma_wait3A_227, %dma_wait3A_238, %dma_wait3A_239, %dma_wait3A_240] : memref<2x8x256x16x8x128xf32, #tpu.memory_space<hbm>> -> memref<1x1x1x4x8x128xf32, #tpu.memory_space<hbm>>
    %dma_wait3A_242 = tpu.memref_squeeze %dma_wait3A_241 : memref<1x1x1x4x8x128xf32, #tpu.memory_space<hbm>> -> memref<4x8x128xf32, #tpu.memory_space<hbm>>
    %dma_wait3A_243 = arith.constant 0 : i32
    %dma_wait3A_244 = arith.constant 0 : i32
    %dma_wait3A_245 = arith.constant 0 : i32
    %dma_wait3A_246 = tpu.memref_slice %arg12[%dma_wait3A_224, %dma_wait3A_243, %dma_wait3A_244, %dma_wait3A_245] : memref<4x4x8x128xf32, #tpu.memory_space<vmem>> -> memref<1x4x8x128xf32, #tpu.memory_space<vmem>>
    %dma_wait3A_247 = tpu.memref_squeeze %dma_wait3A_246 : memref<1x4x8x128xf32, #tpu.memory_space<vmem>> -> memref<4x8x128xf32, #tpu.memory_space<vmem>>
    tpu.wait_dma2 semaphore(%arg16 : memref<!tpu.dma_semaphore, #tpu.memory_space<semaphore_mem>>) src(%dma_wait3A_247 : memref<4x8x128xf32, #tpu.memory_space<vmem>>) dst(%dma_wait3A_242 : memref<4x8x128xf32, #tpu.memory_space<hbm>>)
    %dma_wait3A_248 = arith.constant 3 : i32
    %dma_wait3A_249 = arith.constant 0 : i32
    %dma_wait3A_250 = arith.constant 0 : i32
    %dma_wait3A_251 = arith.constant 0 : i32
    %dma_wait3A_252 = arith.constant 0 : i32
    %dma_wait3A_253 = arith.constant 0 : i32
    %dma_wait3A_254 = arith.constant 0 : i32
    %dma_wait3A_255 = tpu.memref_slice %arg12[%dma_wait3A_248, %dma_wait3A_252, %dma_wait3A_253, %dma_wait3A_254] : memref<4x4x8x128xf32, #tpu.memory_space<vmem>> -> memref<1x4x8x128xf32, #tpu.memory_space<vmem>>
    %dma_wait3A_256 = tpu.memref_squeeze %dma_wait3A_255 : memref<1x4x8x128xf32, #tpu.memory_space<vmem>> -> memref<4x8x128xf32, #tpu.memory_space<vmem>>
    %dma_wait3A_257 = arith.constant 0 : i32
    %dma_wait3A_258 = arith.constant 0 : i32
    %dma_wait3A_259 = arith.constant 0 : i32
    %dma_wait3A_260 = tpu.memref_slice %arg4[%dma_wait3A_249, %dma_wait3A_250, %dma_wait3A_251, %dma_wait3A_257, %dma_wait3A_258, %dma_wait3A_259] : memref<2x8x256x16x8x128xf32, #tpu.memory_space<hbm>> -> memref<1x1x1x4x8x128xf32, #tpu.memory_space<hbm>>
    %dma_wait3A_261 = tpu.memref_squeeze %dma_wait3A_260 : memref<1x1x1x4x8x128xf32, #tpu.memory_space<hbm>> -> memref<4x8x128xf32, #tpu.memory_space<hbm>>
    %dma_wait3A_262 = arith.constant 0 : i32
    %dma_wait3A_263 = arith.constant 0 : i32
    %dma_wait3A_264 = arith.constant 0 : i32
    %dma_wait3A_265 = tpu.memref_slice %arg4[%dma_wait3A_249, %dma_wait3A_250, %dma_wait3A_251, %dma_wait3A_262, %dma_wait3A_263, %dma_wait3A_264] : memref<2x8x256x16x8x128xf32, #tpu.memory_space<hbm>> -> memref<1x1x1x4x8x128xf32, #tpu.memory_space<hbm>>
    %dma_wait3A_266 = tpu.memref_squeeze %dma_wait3A_265 : memref<1x1x1x4x8x128xf32, #tpu.memory_space<hbm>> -> memref<4x8x128xf32, #tpu.memory_space<hbm>>
    %dma_wait3A_267 = arith.constant 0 : i32
    %dma_wait3A_268 = arith.constant 0 : i32
    %dma_wait3A_269 = arith.constant 0 : i32
    %dma_wait3A_270 = tpu.memref_slice %arg12[%dma_wait3A_248, %dma_wait3A_267, %dma_wait3A_268, %dma_wait3A_269] : memref<4x4x8x128xf32, #tpu.memory_space<vmem>> -> memref<1x4x8x128xf32, #tpu.memory_space<vmem>>
    %dma_wait3A_271 = tpu.memref_squeeze %dma_wait3A_270 : memref<1x4x8x128xf32, #tpu.memory_space<vmem>> -> memref<4x8x128xf32, #tpu.memory_space<vmem>>
    tpu.wait_dma2 semaphore(%arg16 : memref<!tpu.dma_semaphore, #tpu.memory_space<semaphore_mem>>) src(%dma_wait3A_271 : memref<4x8x128xf32, #tpu.memory_space<vmem>>) dst(%dma_wait3A_266 : memref<4x8x128xf32, #tpu.memory_space<hbm>>)
    return
  }
}

module attributes {stable_mosaic.version = 14 : i64} {
  func.func @_idx_kernel(%arg0: i32, %arg1: i32, %arg2: memref<1x3x2048xf32, #tpu.memory_space<vmem>>, %arg3: memref<1x3x512xf32, #tpu.memory_space<vmem>>, %arg4: memref<1x512x2048xi32, #tpu.memory_space<vmem>>) attributes {dimension_semantics = [#tpu.dimension_semantics<arbitrary>, #tpu.dimension_semantics<arbitrary>], iteration_bounds = array<i64: 2, 4>, scalar_prefetch = 0 : i64, scratch_operands = 0 : i64, tpu.core_type = #tpu.core_type<tc>, window_params = [{transform_indices = @transform_0, window_bounds = array<i64: 1, 3, 2048>}, {transform_indices = @transform_1, window_bounds = array<i64: 1, 3, 512>}, {transform_indices = @transform_2, window_bounds = array<i64: 1, 512, 2048>}]} {
    %get3A = arith.constant 0 : index
    %get3A_0 = arith.constant 0 : index
    %get3A_1 = arith.constant 0 : index
    %get3A_2 = vector.load %arg2[%get3A, %get3A_0, %get3A_1] : memref<1x3x2048xf32, #tpu.memory_space<vmem>>, vector<1x1x2048xf32>
    %get3A_3 = vector.shape_cast %get3A_2 : vector<1x1x2048xf32> to vector<2048xf32>
    %broadcast_in_dim3A = vector.shape_cast %get3A_3 : vector<2048xf32> to vector<1x2048xf32>
    %get3A_4 = arith.constant 0 : index
    %get3A_5 = arith.constant 1 : index
    %get3A_6 = arith.constant 0 : index
    %get3A_7 = vector.load %arg2[%get3A_4, %get3A_5, %get3A_6] : memref<1x3x2048xf32, #tpu.memory_space<vmem>>, vector<1x1x2048xf32>
    %get3A_8 = vector.shape_cast %get3A_7 : vector<1x1x2048xf32> to vector<2048xf32>
    %broadcast_in_dim3A_9 = vector.shape_cast %get3A_8 : vector<2048xf32> to vector<1x2048xf32>
    %get3A_10 = arith.constant 0 : index
    %get3A_11 = arith.constant 2 : index
    %get3A_12 = arith.constant 0 : index
    %get3A_13 = vector.load %arg2[%get3A_10, %get3A_11, %get3A_12] : memref<1x3x2048xf32, #tpu.memory_space<vmem>>, vector<1x1x2048xf32>
    %get3A_14 = vector.shape_cast %get3A_13 : vector<1x1x2048xf32> to vector<2048xf32>
    %broadcast_in_dim3A_15 = vector.shape_cast %get3A_14 : vector<2048xf32> to vector<1x2048xf32>
    %get3A_16 = arith.constant 0 : index
    %get3A_17 = arith.constant 0 : index
    %get3A_18 = arith.constant 0 : index
    %get3A_19 = vector.load %arg3[%get3A_16, %get3A_17, %get3A_18] : memref<1x3x512xf32, #tpu.memory_space<vmem>>, vector<1x1x512xf32>
    %get3A_20 = vector.shape_cast %get3A_19 : vector<1x1x512xf32> to vector<512xf32>
    %broadcast_in_dim3A_21 = vector.shape_cast %get3A_20 : vector<512xf32> to vector<512x1xf32>
    %get3A_22 = arith.constant 0 : index
    %get3A_23 = arith.constant 1 : index
    %get3A_24 = arith.constant 0 : index
    %get3A_25 = vector.load %arg3[%get3A_22, %get3A_23, %get3A_24] : memref<1x3x512xf32, #tpu.memory_space<vmem>>, vector<1x1x512xf32>
    %get3A_26 = vector.shape_cast %get3A_25 : vector<1x1x512xf32> to vector<512xf32>
    %broadcast_in_dim3A_27 = vector.shape_cast %get3A_26 : vector<512xf32> to vector<512x1xf32>
    %get3A_28 = arith.constant 0 : index
    %get3A_29 = arith.constant 2 : index
    %get3A_30 = arith.constant 0 : index
    %get3A_31 = vector.load %arg3[%get3A_28, %get3A_29, %get3A_30] : memref<1x3x512xf32, #tpu.memory_space<vmem>>, vector<1x1x512xf32>
    %get3A_32 = vector.shape_cast %get3A_31 : vector<1x1x512xf32> to vector<512xf32>
    %broadcast_in_dim3A_33 = vector.shape_cast %get3A_32 : vector<512xf32> to vector<512x1xf32>
    %sub3A = vector.broadcast %broadcast_in_dim3A_9 : vector<1x2048xf32> to vector<512x2048xf32>
    %sub3A_34 = vector.broadcast %broadcast_in_dim3A_27 : vector<512x1xf32> to vector<512x2048xf32>
    %sub3A_35 = arith.subf %sub3A, %sub3A_34 : vector<512x2048xf32>
    %sub3A_36 = vector.broadcast %broadcast_in_dim3A_15 : vector<1x2048xf32> to vector<512x2048xf32>
    %sub3A_37 = vector.broadcast %broadcast_in_dim3A_33 : vector<512x1xf32> to vector<512x2048xf32>
    %sub3A_38 = arith.subf %sub3A_36, %sub3A_37 : vector<512x2048xf32>
    %mul3A = arith.mulf %sub3A_35, %sub3A_35 : vector<512x2048xf32>
    %mul3A_39 = arith.mulf %sub3A_38, %sub3A_38 : vector<512x2048xf32>
    %add3A = arith.addf %mul3A, %mul3A_39 : vector<512x2048xf32>
    %log3A = math.log %add3A : vector<512x2048xf32>
    %mul3A_40 = arith.constant 2.79325771 : f32
    %mul3A_41 = vector.broadcast %mul3A_40 : f32 to vector<512x2048xf32>
    %mul3A_42 = arith.mulf %log3A, %mul3A_41 : vector<512x2048xf32>
    %ceil3A = math.ceil %mul3A_42 : vector<512x2048xf32>
    %jit3A = arith.constant 0.000000e+00 : f32
    %jit3A_43 = arith.constant 3.100000e+01 : f32
    %max3A = vector.broadcast %jit3A : f32 to vector<512x2048xf32>
    %max3A_44 = arith.maximumf %max3A, %ceil3A : vector<512x2048xf32>
    %min3A = vector.broadcast %jit3A_43 : f32 to vector<512x2048xf32>
    %min3A_45 = arith.minimumf %min3A, %max3A_44 : vector<512x2048xf32>
    %sub3A_46 = vector.broadcast %broadcast_in_dim3A : vector<1x2048xf32> to vector<512x2048xf32>
    %sub3A_47 = vector.broadcast %broadcast_in_dim3A_21 : vector<512x1xf32> to vector<512x2048xf32>
    %sub3A_48 = arith.subf %sub3A_46, %sub3A_47 : vector<512x2048xf32>
    %floor3A = math.floor %sub3A_48 : vector<512x2048xf32>
    %eq3A = arith.cmpf oeq, %sub3A_48, %floor3A : vector<512x2048xf32>
    %jit3A_49 = arith.constant 1.600000e+01 : f32
    %jit3A_50 = arith.constant 1.700000e+01 : f32
    %broadcast_in_dim3A_51 = vector.broadcast %jit3A_49 : f32 to vector<512x2048xf32>
    %broadcast_in_dim3A_52 = vector.broadcast %jit3A_50 : f32 to vector<512x2048xf32>
    %select_n3A = arith.select %eq3A, %broadcast_in_dim3A_51, %broadcast_in_dim3A_52 : vector<512x2048xi1>, vector<512x2048xf32>
    %add3A_53 = arith.addf %floor3A, %select_n3A : vector<512x2048xf32>
    %jit3A_54 = arith.constant 0.000000e+00 : f32
    %jit3A_55 = arith.constant 3.200000e+01 : f32
    %max3A_56 = vector.broadcast %jit3A_54 : f32 to vector<512x2048xf32>
    %max3A_57 = arith.maximumf %max3A_56, %add3A_53 : vector<512x2048xf32>
    %min3A_58 = vector.broadcast %jit3A_55 : f32 to vector<512x2048xf32>
    %min3A_59 = arith.minimumf %min3A_58, %max3A_57 : vector<512x2048xf32>
    %mul3A_60 = arith.constant 3.200000e+01 : f32
    %mul3A_61 = vector.broadcast %mul3A_60 : f32 to vector<512x2048xf32>
    %mul3A_62 = arith.mulf %mul3A_61, %min3A_59 : vector<512x2048xf32>
    %add3A_63 = arith.addf %min3A_45, %mul3A_62 : vector<512x2048xf32>
    %convert_element_type3A = arith.fptosi %add3A_63 : vector<512x2048xf32> to vector<512x2048xi32>
    %swap3A = arith.constant 0 : index
    %swap3A_64 = arith.constant 0 : index
    %swap3A_65 = arith.constant 0 : index
    %swap3A_66 = vector.load %arg4[%swap3A, %swap3A_64, %swap3A_65] : memref<1x512x2048xi32, #tpu.memory_space<vmem>>, vector<1x512x2048xi32>
    %swap3A_67 = vector.shape_cast %swap3A_66 : vector<1x512x2048xi32> to vector<512x2048xi32>
    %swap3A_68 = vector.shape_cast %convert_element_type3A : vector<512x2048xi32> to vector<1x512x2048xi32>
    tpu.vector_store %arg4[%swap3A, %swap3A_64, %swap3A_65], %swap3A_68 {strides = array<i32>} : memref<1x512x2048xi32, #tpu.memory_space<vmem>>, vector<1x512x2048xi32>,
    return
  }
  func.func @transform_0(%arg0: i32, %arg1: i32) -> (i32, i32, i32) {
    %c0_i32 = arith.constant 0 : i32
    %c0_i32_0 = arith.constant 0 : i32
    %c0_i32_1 = arith.constant 0 : i32
    return %arg0, %c0_i32, %c0_i32_0 : i32, i32, i32
  }
  func.func @transform_1(%arg0: i32, %arg1: i32) -> (i32, i32, i32) {
    %c0_i32 = arith.constant 0 : i32
    %c0_i32_0 = arith.constant 0 : i32
    return %arg0, %c0_i32, %arg1 : i32, i32, i32
  }
  func.func @transform_2(%arg0: i32, %arg1: i32) -> (i32, i32, i32) {
    %c0_i32 = arith.constant 0 : i32
    %c0_i32_0 = arith.constant 0 : i32
    return %arg0, %arg1, %c0_i32 : i32, i32, i32
  }
}

</mosaic_0001>

<sc_bundles>
// kernel: kernel.4.cloned.1.call-start
scs
__scs_entry_jumppad:
0x0: {  	(pc) =	sbr.rel $0x88, $3  }
0x1: {  	(tag) =	ssettag $0x0;
	lr =	simm.s32 $0x1  }
0x2: {  	[smem:$0x3F9F] =	sst lr;
	_ =	strace $0xD0000000  }
0x3: {  	_ = 	snop  }
0x4: {  	_ = 	snop  }
0x5: {  	_ = 	snop  }
0x6: {  	_ = 	snop  }
0x7: {  	_ = 	snop  }
__scs_overlays_trampoline_lowered:
0x8: {  	[smem:$0x3FAE] =	sst s0  }
0x9: {  	[smem:$0x3FAF] =	sst s1  }
0xa: {  	[smem:$0x3FB0] =	sst s2  }
0xb: {  	[smem:$0x3FB1] =	sst s3  }
0xc: {  	[smem:$0x3FB2] =	sst s4  }
0xd: {  	[smem:$0x3FB3] =	sst s5  }
0xe: {  	[smem:$0x3FB4] =	sst s6  }
0xf: {  	[smem:$0x3FB5] =	sst s7  }
0x10: {  	[smem:$0x3FB6] =	sst s8  }
0x11: {  	[smem:$0x3FB7] =	sst s9;
	s0 =	simm.s32 @!p0 $0x0  }
0x12: {  	s1 =	sld [smem:$0x3F9D];
	s0 =	simm.s32 @p0 $0x1  }
0x13: {  	[smem:$0x3FB8] =	sst s0;
	s0 =	simm.s32 @!p1 $0x0  }
0x14: {  	s2 =	sld [smem:$0x3F9C];
	s0 =	simm.s32 @p1 $0x1  }
0x15: {  	[smem:$0x3FB9] =	sst s0;
	s0 =	simm.s32 @!p2 $0x0  }
0x16: {  	s3 =	sld [smem:$0x3FDB];
	s0 =	simm.s32 @p2 $0x1  }
0x17: {  	s4 =	simm.s32 $0x1BF5;
	[smem:$0x3FBB] =	sst s0  }
0x18: {  	s0 =	sld [smem:$0x3F9E];
	_ =	swait.ge [sflag:s4], $0x0  }
0x19: {  	s7 =	sld [smem:$0x3F9F]  }
0x1a: {  	s8 =	sadd.s32 $0xFFFFE003, lr  }
0x1b: {  	s9 =	sadd.s32 $0xFFFFFEF7, lr;
	s5 =	simm.s32 $0xFFFFFFFF;
	p2 =	slt.u32 s8, $0xFFFFF086  }
0x1c: {  	p1 =	slt.u32 s9, $0xF7A;
	s5 =	simm.s32 @!p2 $0x0  }
0x1d: {  	s5 =	simm.s32 @p1 $0x1;
	p0 =	seq.s32 s7, s2  }
0x1e: {  	s7 =	smul.u32 @!p0 $0xF7A, s2;
	p2 =	seq.s32 @!p0 s5, $0x0  }
0x1f: {  	s9 =	smul.u32 $0xF7A, s1;
	s8 =	simm.s32 @!p0 $0x1BF5;
	p2 =	por !p2, p0  }
0x20: {  	[sflag:s8] =	ssyncset.s32 @!p0 $0xFFFFF086;
	s6 =	sadd.s32 @!p0 s3, s7;
	s7 =	simm.s32 @!p0 $0x108  }
0x21: {  	s3 =	sadd.s32 s3, s9;
	s6 =	sadd.s32 @!p0 $0x88, s6;
	s7 =	simm.s32 @p2 $0x1082  }
0x22: {  	[simem:s7], [sflag:s8] =	dma.local @!p0 [hbm:s6], $0xF7A  }
0x23: {  	s9 =	sor.u32 $0xD0000000, s2;
	s6 =	simm.s32 $0x108;
	_ =	swait.ge @!p0 [sflag:s8], $0x0  }
0x24: {  	s3 =	sadd.s32 $0x88, s3;
	s6 =	simm.s32 @!p1 $0x1082;
	[sflag:s4] =	ssyncset.s32 $0xFFFFF086  }
0x25: {  	[simem:s6], [sflag:s4] =	dma.local [hbm:s3], $0xF7A  }
0x26: {  	[smem:$0x3F9F] =	sst s1;
	(tag) =	ssettag s2;
	_ =	strace s9  }
0x27: {  	s1 =	sld [smem:$0x3FAF]  }
0x28: {  	s2 =	sld [smem:$0x3FB0]  }
0x29: {  	s4 =	sld [smem:$0x3FB2]  }
0x2a: {  	p0 =	seq.s32 s5, $0x0;
	s5 =	sld [smem:$0x3FB3]  }
0x2b: {  	s6 =	sld [smem:$0x3FB4]  }
0x2c: {  	s7 =	sld [smem:$0x3FB5]  }
0x2d: {  	s3 =	simm.s32 $0x108;
	s8 =	sld [smem:$0x3FB6]  }
0x2e: {  	s3 =	simm.s32 @!p0 $0x1082;
	s9 =	sld [smem:$0x3FB7]  }
0x2f: {  	lr =	sadd.s32 s0, s3;
	s0 =	sld [smem:$0x3FAE]  }
0x30: {  	s3 =	sld [smem:$0x3FB1]  }
0x31: {  	[smem:$0x3FBA] =	sst s10  }
0x32: {  	s10 =	sld [smem:$0x3FB8];
	_ =	sdelay $0x3  }
0x33: {  	p0 =	seq.s32 s10, $0x1;
	s10 =	sld [smem:$0x3FBA];
	_ =	sdelay $0x3  }
0x34: {  	[smem:$0x3FBA] =	sst s10  }
0x35: {  	s10 =	sld [smem:$0x3FB9];
	_ =	sdelay $0x3  }
0x36: {  	p1 =	seq.s32 s10, $0x1;
	s10 =	sld [smem:$0x3FBA];
	_ =	sdelay $0x3  }
0x37: {  	[smem:$0x3FBA] =	sst s10  }
0x38: {  	s10 =	sld [smem:$0x3FBB]  }
0x39: {  	_ = 	snop;
	(pc) =	sbr.ind lr, $3  }
0x3a: {  	_ = 	snop  }
0x3b: {  	_ = 	snop  }
0x3c: {  	p2 =	seq.s32 s10, $0x1;
	s10 =	sld [smem:$0x3FBA]  }
0x3d: {  	_ =	shalt  }
0x3e: {  	_ =	shalt  }
0x3f: {  	_ =	shalt  }
0x40: {  	_ =	shalt  }
0x41: {  	_ =	shalt  }
0x42: {  	_ =	shalt  }
0x43: {  	_ =	shalt  }
0x44: {  	_ =	shalt  }
0x45: {  	_ =	shalt  }
0x46: {  	_ =	shalt  }
0x47: {  	_ =	shalt  }
0x48: {  	_ =	shalt  }
0x49: {  	_ =	shalt  }
0x4a: {  	_ =	shalt  }
0x4b: {  	_ =	shalt  }
0x4c: {  	_ =	shalt  }
0x4d: {  	_ =	shalt  }
0x4e: {  	_ =	shalt  }
0x4f: {  	_ =	shalt  }
0x50: {  	_ =	shalt  }
0x51: {  	_ =	shalt  }
0x52: {  	_ =	shalt  }
0x53: {  	_ =	shalt  }
0x54: {  	_ =	shalt  }
0x55: {  	_ =	shalt  }
0x56: {  	_ =	shalt  }
0x57: {  	_ =	shalt  }
0x58: {  	_ =	shalt  }
0x59: {  	_ =	shalt  }
0x5a: {  	_ =	shalt  }
0x5b: {  	_ =	shalt  }
0x5c: {  	_ =	shalt  }
0x5d: {  	_ =	shalt  }
0x5e: {  	_ =	shalt  }
0x5f: {  	_ =	shalt  }
0x60: {  	_ =	shalt  }
0x61: {  	_ =	shalt  }
0x62: {  	_ =	shalt  }
0x63: {  	_ =	shalt  }
0x64: {  	_ =	shalt  }
0x65: {  	_ =	shalt  }
0x66: {  	_ =	shalt  }
0x67: {  	_ =	shalt  }
0x68: {  	_ =	shalt  }
0x69: {  	_ =	shalt  }
0x6a: {  	_ =	shalt  }
0x6b: {  	_ =	shalt  }
0x6c: {  	_ =	shalt  }
0x6d: {  	_ =	shalt  }
0x6e: {  	_ =	shalt  }
0x6f: {  	_ =	shalt  }
0x70: {  	_ =	shalt  }
0x71: {  	_ =	shalt  }
0x72: {  	_ =	shalt  }
0x73: {  	_ =	shalt  }
0x74: {  	_ =	shalt  }
0x75: {  	_ =	shalt  }
0x76: {  	_ =	shalt  }
0x77: {  	_ =	shalt  }
0x78: {  	_ =	shalt  }
0x79: {  	_ =	shalt  }
0x7a: {  	_ =	shalt  }
0x7b: {  	_ =	shalt  }
0x7c: {  	_ =	shalt  }
0x7d: {  	_ =	shalt  }
0x7e: {  	_ =	shalt  }
0x7f: {  	_ =	shalt  }
0x80: {  	_ =	shalt  }
0x81: {  	_ =	shalt  }
0x82: {  	_ =	shalt  }
0x83: {  	_ =	shalt  }
0x84: {  	_ =	shalt  }
0x85: {  	_ =	shalt  }
0x86: {  	_ =	shalt  }
0x87: {  	_ =	shalt  }
.Lfunc_end0:
.L_simem_size_0:
called_computation_lowered:
.L_overlay_start_0:
0x88: {  	s2 =	sld [smem:$0x3FD9]  }
0x89: {  	s3 =	sld [smem:$0x3FFE];
	_ =	sdelay $0x1  }
0x8a: {  	s1 =	srdreg.scid  }
0x8b: {  	s0 =	sand.u32 $0x1, s1  }
0x8c: {  	s17 =	sshll.u32 s0, $0xA;
	s2 =	sadd.s32 s3, s2  }
0x8d: {  	s2 =	sadd.s32 s2, s17  }
0x8e: {  	[smem:$0x3FC6] =	sst s2  }
0x8f: {  	_ = 	snop  }
0x90: {  	s2 =	sld [smem:$0x3FD0];
	(tm) =	ssettm $0x1  }
0x91: {  	s18 =	sld [smem:$0x3FFB];
	_ =	sdelay $0x3  }
0x92: {  	_ =	strace s18  }
0x93: {  	s3 =	sld [smem:$0x3FFC];
	_ =	sdelay $0x3  }
0x94: {  	_ =	strace s3  }
0x95: {  	s3 =	sld [smem:$0x3FFD];
	_ =	sdelay $0x3  }
0x96: {  	_ =	strace s3  }
0x97: {  	_ =	strace $0x8FFFFFFF  }
0x98: {  	s19 =	sld [smem:$0x3FDB];
	_ =	sdelay $0x1  }
0x99: {  	s4 =	simm.s32 $_scs_section_size  }
0x9a: {  	s5 =	simm.s32 $_size__tile_overlayer_lowered;
	s6 =	simm.s32 $_tile_overlayer_lowered  }
0x9b: {  	s22 =	simm.s32 $0x1BFF;
	s21 =	sshll.u32 s6, $0x1;
	s3 =	sadd.s32 s4, s19  }
0x9c: {  	s7 =	simm.s32 $0x0;
	s20 =	sshll.u32 s5, $0x1;
	s5 =	sadd.s32 s21, s3  }
0x9d: {  	[timem:s7], [sflag:s22] =	dma.local [hbm:s5], s20  }
0x9e: {  	_ =	swait.ge [sflag:s22], s20  }
0x9f: {  	s4 =	ssub.s32 $0x0, s20;
	[sflag:s22] =	ssyncset.done $0x0  }
0xa0: {  	[sflag:s22] =	ssyncadd.s32 s4;
	_ =	sdelay $0x1  }
0xa1: {  	s23 =	simm.s32 $0x1B8B  }
0xa2: {  	_ =	swait.ge [sflag:s23], $0x1  }
0xa3: {  	[sflag:s23] =	ssyncset.done $0x0  }
0xa4: {  	s25 =	simm.s32 $0x1B8E;
	s24 =	sld [smem:$0x3FFE];
	[sflag:s23] =	ssyncadd.s32 $0xFFFFFFFF  }
0xa5: {  	s26 =	simm.s32 $execute0_lowered;
	[smem:$0x3FD2] =	sst s25  }
0xa6: {  	s5 =	sshll.u32 s26, $0x1;
	_ =	strace $0x80000046;
	[dreg:$0x1] =	wrdreg $0xFFFFFFFF  }
0xa7: {  	s28 =	simm.s32 $_size_execute0_lowered;
	s3 =	sadd.s32 s3, s5;
	[dreg:$0x0] =	wrdreg $0x0  }
0xa8: {  	s5 =	sshll.u32 s28, $0x1;
	[dreg:$0x2] =	wrdreg s3  }
0xa9: {  	[dreg:$0x3] =	wrdreg s5  }
0xaa: {  	[dreg:$0x4] =	wrdreg $0xC0  }
0xab: {  	_ =	task [dreg:s7], $0x5FFFF  }
0xac: {  	[dreg:$0x1] =	wrdreg $0xFFFFFFFF  }
0xad: {  	[dreg:$0x0] =	wrdreg $0x60  }
0xae: {  	[dreg:$0x2] =	wrdreg s24  }
0xaf: {  	[dreg:$0x3] =	wrdreg s2  }
0xb0: {  	[dreg:$0x4] =	wrdreg $0x9  }
0xb1: {  	_ =	task.clear_ibuf [dreg:s7], $0x5FFFF;
	_ =	strace $0x90000046  }
0xb2: {  	s29 =	simm.s32 $0x9;
	_ =	strace $0x80000048  }
0xb3: {  	_ =	swait.ge [sflag:s29], $0x1  }
0xb4: {  	[sflag:s29] =	ssyncadd.s32 $0xFFFFFFFF  }
0xb5: {  	_ =	strace $0x90000048  }
0xb6: {  	_ =	sfence  }
0xb7: {  	s30 =	sld [smem:$0x0];
	_ =	sdelay $0x2  }
0xb8: {  	s31 =	sshll.u32 s1, $0xD;
	s1 =	sshrl.u32 s1, $0x2  }
0xb9: {  	s3 =	sand.u32 $0x4000, s31;
	s1 =	sadd.s32 s1, s30  }
0xba: {  	s0 =	sor.u32 s3, s0;
	s1 =	sshll.u32 s1, $0x11  }
0xbb: {  	s0 =	sor.u32 s1, s0  }
0xbc: {  	s0 =	sadd.s32 $0x8F2B, s0  }
0xbd: {  	[sflag:s0] =	ssyncadd.remote.s32 $0x1  }
0xbe: {  	_ =	sfence.sel $0xFFFF  }
0xbf: {  	[dreg:$0x0] =	wrdreg $0xFFFFFFFF;
	(pc) =	sbr.abs _section_cstart, $3  }
0xc0: {  	[dreg:$0x1] =	wrdreg $0xFFFFFFFF  }
0xc1: {  	_ =	task.clear_ibuf [dreg:s7], $0x2FFFF;
	_ =	strace $0x9FFFFFFF  }
0xc2: {  	(tm) =	ssettm $0x7FFFFFFF  }
0xc3: {  	_ =	shalt  }
tec
execute0_lowered:
.L_overlay_start_1:
0x0: {  	(tag) =	ssettag $0x1  }
0x1: {  	s0 =	rddreg [dreg:$0x0]  }
0x2: {  	s31 =	rddreg [dreg:$0x1];
	s2 =	simm.s32 $0x0;
	s3 =	srdreg.scid  }
0x3: {  	s1 =	stileid.u32;
	[smem:$0x7FF] =	sst s2;
	s15 =	sadd.s32 $0x4600, s0  }
0x4: {  	s0 =	sadd.s32 $0x400, s0;
	s3 =	sand.u32 $0x1, s3;
	s10 =	sshrl.u32 s1, $0x3  }
0x5: {  	s16 =	sand.u32 $0x7, s1;
	_ =	strace $0x80000047;
	s4 =	ssub.s32 $0x2, s3  }
0x6: {  	s5 =	sshll.u32 s3, $0x2;
	s7 =	smul.u32 $0x2100, s3;
	s12 =	sshllo.u32 s3, $0x2  }
0x7: {  	s17 =	sshll.u32 s10, $0x16;
	s13 =	sshll.u32 s16, $0x13;
	[dreg:$0x3] =	wrdreg s15  }
0x8: {  	s23 =	sshll.u32 s10, $0x19;
	s3 =	sshll.u32 s3, $0x18;
	s6 =	sshrl.u32 s4, $0x1  }
0x9: {  	s8 =	sor.u32 $0x1, s5;
	s5 =	sor.u32 $0x2, s5;
	[dreg:$0x4] =	wrdreg s17  }
0xa: {  	s13 =	sor.u32 s13, s17;
	s24 =	sor.u32 s3, s23;
	s4 =	ssub.s32 s4, s6  }
0xb: {  	s11 =	smul.u32 $0x840, s5;
	s6 =	sshll.u32 s16, $0x5;
	[dreg:$0xc] =	wrdreg s24  }
0xc: {  	s18 =	sadd.s32 s0, s7;
	s20 =	sshrl.u32 s13, $0x3;
	[dreg:$0x5] =	wrdreg s6  }
0xd: {  	s25 =	sshll.u32 s8, $0x16;
	[dreg:$0x6] =	wrdreg s18;
	s22 =	sadd.s32 s15, s20  }
0xe: {  	s5 =	sshll.u32 s5, $0x16;
	s26 =	sor.u32 s23, s25;
	[dreg:$0xa] =	wrdreg s22  }
0xf: {  	s9 =	smul.u32 $0x840, s8;
	s28 =	sor.u32 s23, s5;
	[dreg:$0xd] =	wrdreg s26  }
0x10: {  	s30 =	smax.u32 s4, $0x1;
	[dreg:$0xe] =	wrdreg s28  }
0x11: {  	s14 =	smul.u32 $0x840, s12;
	s19 =	sadd.s32 s0, s9;
	[dreg:$0x10] =	wrdreg s30  }
.Ltmp0:
0x12: {  	s21 =	sadd.s32 s0, s11;
	[dreg:$0x7] =	wrdreg s19;
	(pc) =	sbr.rel .LBB2_1-.Ltmp0, $4  }
0x13: {  	s29 =	sshll.u32 s12, $0x16;
	s0 =	sadd.s32 s0, s14;
	[dreg:$0x8] =	wrdreg s21  }
0x14: {  	s3 =	simm.s32 $0x0;
	[dreg:$0x9] =	wrdreg s0;
	s0 =	sadd.s32 $0x200, s22  }
0x15: {  	s20 =	simm.s32 $0x8400;
	[dreg:$0xb] =	wrdreg s0;
	s0 =	sor.u32 s23, s29  }
0x16: {  	v0 =	vlaneseq.u32;
	s19 =	simm.s32 $0x4200;
	s21 =	simm.s32 $0xC600;
	[dreg:$0xf] =	wrdreg s0  }
.LBB2_12:
0x17: {  	s0 =	simm.s32 $0x3  }
0x18: {  	_ =	swait.ge [sflag:s0], $0x1000  }
0x19: {  	[sflag:s0] =	ssyncset.done $0x0  }
0x1a: {  	[sflag:s0] =	ssyncadd.s32 $0xFFFFF000  }
0x1b: {  	_ =	swait.ge [sflag:s0], $0x1000  }
0x1c: {  	[sflag:s0] =	ssyncset.done $0x0  }
0x1d: {  	[sflag:s0] =	ssyncadd.s32 $0xFFFFF000  }
0x1e: {  	_ =	swait.ge [sflag:s0], $0x1000  }
0x1f: {  	[sflag:s0] =	ssyncset.done $0x0  }
0x20: {  	[sflag:s0] =	ssyncadd.s32 $0xFFFFF000  }
0x21: {  	_ =	swait.ge [sflag:s0], $0x1000  }
0x22: {  	[sflag:s0] =	ssyncset.done $0x0  }
0x23: {  	s1 =	simm.s32 $0x4;
	[sflag:s0] =	ssyncadd.s32 $0xFFFFF000  }
0x24: {  	_ =	swait.ge [sflag:s1], $0x1000  }
0x25: {  	[sflag:s1] =	ssyncset.done $0x0  }
0x26: {  	[sflag:s1] =	ssyncadd.s32 $0xFFFFF000  }
0x27: {  	_ =	swait.ge [sflag:s1], $0x1000  }
0x28: {  	[sflag:s1] =	ssyncset.done $0x0  }
0x29: {  	[sflag:s1] =	ssyncadd.s32 $0xFFFFF000  }
0x2a: {  	_ =	swait.ge [sflag:s1], $0x1000  }
0x2b: {  	[sflag:s1] =	ssyncset.done $0x0  }
0x2c: {  	[sflag:s1] =	ssyncadd.s32 $0xFFFFF000  }
0x2d: {  	_ =	swait.ge [sflag:s1], $0x1000  }
0x2e: {  	s3 =	rddreg [dreg:$0x11]  }
0x2f: {  	s30 =	rddreg [dreg:$0x10];
	s3 =	sadd.s32 $0x1, s3  }
0x30: {  	p0 =	sne.s32 s3, s30  }
.Ltmp1:
0x31: {  	_ = 	snop;
	(pc) =	sbr.rel @!p0 .LBB2_13-.Ltmp1, $3  }
0x32: {  	_ =	sdelay $0x1  }
0x33: {  	[sflag:s1] =	ssyncset.done $0x0  }
0x34: {  	[sflag:s1] =	ssyncadd.s32 $0xFFFFF000  }
.LBB2_1:
0x35: {  	[dreg:$0x11] =	wrdreg s3  }
0x36: {  	s0 =	rddreg [dreg:$0x6];
	s1 =	simm.s32 $0x5  }
0x37: {  	[tilespmem:s2], [sflag:$0x5] =	stream.linear.gather [hbm4b:s0+s2], $0x4200, $0x38;
	[tilespmem:$0x1A800] =	vst v63  }
0x38: {  	_ =	swait.ge [sflag:s1], $0x4200  }
0x39: {  	[sflag:s1] =	ssyncset.done $0x0  }
0x3a: {  	s23 =	rddreg [dreg:$0x7];
	[sflag:s1] =	ssyncadd.s32 $0xFFFFBE00  }
0x3b: {  	[tilespmem:s19], [sflag:$0x5] =	stream.linear.gather [hbm4b:s23+s2], $0x4200, $0x38;
	[tilespmem:$0x1A800] =	vst v63  }
0x3c: {  	_ =	swait.ge [sflag:s1], $0x4200  }
0x3d: {  	[sflag:s1] =	ssyncset.done $0x0  }
0x3e: {  	s24 =	rddreg [dreg:$0x8];
	[sflag:s1] =	ssyncadd.s32 $0xFFFFBE00  }
0x3f: {  	[tilespmem:s20], [sflag:$0x5] =	stream.linear.gather [hbm4b:s24+s2], $0x4200, $0x38;
	[tilespmem:$0x1A800] =	vst v63  }
0x40: {  	_ =	swait.ge [sflag:s1], $0x4200  }
0x41: {  	[sflag:s1] =	ssyncset.done $0x0  }
0x42: {  	s25 =	rddreg [dreg:$0x9];
	[sflag:s1] =	ssyncadd.s32 $0xFFFFBE00  }
0x43: {  	[tilespmem:s21], [sflag:$0x5] =	stream.linear.gather [hbm4b:s25+s2], $0x4200, $0x38;
	[tilespmem:$0x1A800] =	vst v63  }
0x44: {  	_ =	swait.ge [sflag:s1], $0x4200  }
0x45: {  	[sflag:s1] =	ssyncset.done $0x0  }
0x46: {  	s28 =	simm.s32 $0x10800;
	s26 =	rddreg [dreg:$0xa];
	[sflag:s1] =	ssyncadd.s32 $0xFFFFBE00  }
0x47: {  	[tilespmem:s28], [sflag:$0x1] =	stream.linear.gather [hbm4b:s26+s2], $0x1000, $0x38;
	[tilespmem:$0x1A800] =	vst v63  }
0x48: {  	s30 =	simm.s32 $0x11800;
	s12 =	simm.s32 $0x0;
	s29 =	rddreg [dreg:$0xb]  }
0x49: {  	[tilespmem:s30], [sflag:$0x2] =	stream.linear.gather [hbm4b:s29+s2], $0x1000, $0x38;
	[tilespmem:$0x1A800] =	vst v63  }
.LBB2_2:
0x4a: {  	s0 =	simm.s32 $0x1  }
0x4b: {  	_ =	swait.ge [sflag:s0], $0x1000  }
0x4c: {  	p0 =	seq.s32 s12, $0x0;
	[sflag:s0] =	ssyncset.done $0x0  }
0x4d: {  	[sflag:s0] =	ssyncadd.s32 $0xFFFFF000;
	s0 =	simm.s32 @!p0 $0x3  }
0x4e: {  	_ =	swait.ge @!p0 [sflag:s0], $0x1000  }
0x4f: {  	[sflag:s0] =	ssyncset.done @!p0 $0x0  }
0x50: {  	[sflag:s0] =	ssyncadd.s32 @!p0 $0xFFFFF000  }
0x51: {  	_ =	swait.ge @!p0 [sflag:s0], $0x1000  }
0x52: {  	[sflag:s0] =	ssyncset.done @!p0 $0x0  }
0x53: {  	[sflag:s0] =	ssyncadd.s32 @!p0 $0xFFFFF000  }
0x54: {  	_ =	swait.ge @!p0 [sflag:s0], $0x1000  }
0x55: {  	[sflag:s0] =	ssyncset.done @!p0 $0x0  }
0x56: {  	s3 =	simm.s32 $0x0;
	[sflag:s0] =	ssyncadd.s32 @!p0 $0xFFFFF000  }
0x57: {  	s13 =	sand.u32 $0x40, s3;
	s15 =	sand.u32 $0xF80, s3;
	_ =	swait.ge @!p0 [sflag:s0], $0x1000  }
0x58: {  	s3 =	sadd.s32 $0x10800, s15;
	s5 =	sor.u32 $0x30, s13;
	[sflag:s0] =	ssyncset.done @!p0 $0x0  }
0x59: {  	s17 =	sor.u32 s5, s3;
	[sflag:s0] =	ssyncadd.s32 @!p0 $0xFFFFF000  }
0x5a: {  	s4 =	simm.s32 $0x10800;
	v1 =	vld [tilespmem:s17+$0x0]  }
0x5b: {  	v2 =	vld [tilespmem:s4+$0x0];
	s4 =	sor.u32 $0x10, s13  }
0x5c: {  	s14 =	sor.u32 $0x20, s13;
	s18 =	sor.u32 s4, s3  }
0x5d: {  	s3 =	sor.u32 s14, s3;
	v3 =	vld [tilespmem:s18+$0x0]  }
0x5e: {  	v4 =	vld [tilespmem:s3+$0x0]  }
0x5f: {  	v1 =	vshll.u32 v1, $0x4  }
0x60: {  	v2 =	vshll.u32 v2, $0x4;
	v5 =	vor.u32 v0, v1  }
0x61: {  	v6 =	vor.u32 v0, v2  }
0x62: {  	v1 =	vshll.u32 v3, $0x4  }
0x63: {  	s22 =	simm.s32 $0x10840;
	s23 =	simm.s32 $0x40;
	v7 =	vor.u32 v0, v1;
	v1 =	vshll.u32 v4, $0x4  }
0x64: {  	s9 =	sand.u32 $0x40, s23;
	s0 =	sand.u32 $0xF80, s23;
	v3 =	vld [tilespmem:s22+$0x0];
	v12 =	vor.u32 v0, v1  }
0x65: {  	s8 =	sadd.s32 $0x10800, s0;
	s3 =	sor.u32 $0x30, s9;
	v1 =	vld.idx.msk [tilespmem:v5+s2+$0x0], $0xffff  }
0x66: {  	s11 =	sor.u32 s3, s8;
	v2 =	vld.idx.msk [tilespmem:v6+s2+$0x0], $0xffff  }
0x67: {  	v9 =	vld [tilespmem:s11+$0x0]  }
0x68: {  	s7 =	sadd.s32 $0x12800, s15;
	s18 =	sor.u32 $0x10, s9;
	v4 =	vld.idx.msk [tilespmem:v7+s2+$0x0], $0xffff  }
0x69: {  	s10 =	sor.u32 s5, s7;
	s24 =	sor.u32 s18, s8;
	v8 =	vld.idx.msk [tilespmem:v12+s2+$0x0], $0xffff  }
0x6a: {  	s16 =	simm.s32 $0x12800;
	v11 =	vld [tilespmem:s24+$0x0];
	[tilespmem:s10+$0x0] =	vst v1;
	v1 =	vshll.u32 v3, $0x4  }
0x6b: {  	[tilespmem:s16+$0x0] =	vst v2;
	s10 =	sor.u32 $0x20, s9;
	v2 =	vld.idx.msk [tilespmem:v5+s19+$0x0], $0xffff;
	v1 =	vor.u32 v0, v1  }
0x6c: {  	s25 =	sor.u32 s4, s7;
	v10 =	vld.idx.msk [tilespmem:v6+s19+$0x0], $0xffff;
	s8 =	sor.u32 s10, s8  }
0x6d: {  	s7 =	sor.u32 s14, s7;
	[tilespmem:s25+$0x0] =	vst v4;
	v13 =	vld [tilespmem:s8+$0x0]  }
0x6e: {  	s26 =	sadd.s32 $0x13800, s15;
	v3 =	vshll.u32 v9, $0x4;
	[tilespmem:s7+$0x0] =	vst v8;
	v8 =	vld.idx.msk [tilespmem:v7+s19+$0x0], $0xffff  }
0x6f: {  	s28 =	sor.u32 s5, s26;
	v4 =	vor.u32 v0, v3;
	v9 =	vld.idx.msk [tilespmem:v12+s19+$0x0], $0xffff  }
0x70: {  	s29 =	sor.u32 s13, s26;
	[tilespmem:s28+$0x0] =	vst v2;
	v14 =	vld.idx.msk [tilespmem:v1+s2+$0x0], $0xffff  }
0x71: {  	[tilespmem:s29+$0x0] =	vst v10;
	v2 =	vshll.u32 v11, $0x4;
	v10 =	vld.idx.msk [tilespmem:v5+s20+$0x0], $0xffff  }
0x72: {  	s30 =	simm.s32 $0x10880;
	v11 =	vld.idx.msk [tilespmem:v6+s20+$0x0], $0xffff;
	v3 =	vor.u32 v0, v2  }
0x73: {  	s1 =	sor.u32 s4, s26;
	v2 =	vshll.u32 v13, $0x4;
	v13 =	vld [tilespmem:s30+$0x0]  }
0x74: {  	s26 =	sor.u32 s14, s26;
	v2 =	vor.u32 v0, v2;
	[tilespmem:s1+$0x0] =	vst v8;
	v8 =	vld.idx.msk [tilespmem:v4+s2+$0x0], $0xffff  }
0x75: {  	s6 =	sadd.s32 $0x14800, s15;
	v15 =	vld.idx.msk [tilespmem:v7+s20+$0x0], $0xffff;
	[tilespmem:s26+$0x0] =	vst v9  }
0x76: {  	s25 =	sor.u32 s5, s6;
	v16 =	vld.idx.msk [tilespmem:v12+s20+$0x0], $0xffff  }
0x77: {  	[tilespmem:s25+$0x0] =	vst v10;
	v10 =	vld.idx.msk [tilespmem:v3+s2+$0x0], $0xffff  }
0x78: {  	s17 =	sadd.s32 $0x12800, s0;
	s29 =	sor.u32 s13, s6;
	v5 =	vld.idx.msk [tilespmem:v5+s21+$0x0], $0xffff  }
0x79: {  	s8 =	simm.s32 $0x80;
	s28 =	sor.u32 s3, s17;
	[tilespmem:s29+$0x0] =	vst v11;
	v9 =	vld.idx.msk [tilespmem:v2+s2+$0x0], $0xffff  }
0x7a: {  	s23 =	sand.u32 $0x40, s8;
	s7 =	simm.s32 $0x12840;
	s25 =	sand.u32 $0xF80, s8;
	[tilespmem:s28+$0x0] =	vst v8;
	v19 =	vld.idx.msk [tilespmem:v6+s21+$0x0], $0xffff  }
0x7b: {  	s22 =	sor.u32 $0x30, s23;
	[tilespmem:s7+$0x0] =	vst v14;
	s29 =	sor.u32 s4, s6;
	s24 =	sadd.s32 $0x10800, s25;
	v17 =	vld.idx.msk [tilespmem:v4+s19+$0x0], $0xffff  }
0x7c: {  	s16 =	sor.u32 s14, s6;
	s11 =	sor.u32 $0x10, s23;
	s26 =	sor.u32 s22, s24;
	[tilespmem:s29+$0x0] =	vst v15;
	v15 =	vld.idx.msk [tilespmem:v1+s19+$0x0], $0xffff  }
0x7d: {  	s15 =	sadd.s32 $0x15800, s15;
	s30 =	sor.u32 s18, s17;
	s28 =	sor.u32 s11, s24;
	v11 =	vld [tilespmem:s26+$0x0];
	[tilespmem:s16+$0x0] =	vst v16  }
0x7e: {  	s5 =	sor.u32 s5, s15;
	v14 =	vld [tilespmem:s28+$0x0];
	s26 =	sor.u32 $0x20, s23;
	[tilespmem:s30+$0x0] =	vst v10  }
0x7f: {  	s1 =	sor.u32 s10, s17;
	v7 =	vld.idx.msk [tilespmem:v7+s21+$0x0], $0xffff;
	s24 =	sor.u32 s26, s24;
	[tilespmem:s5+$0x0] =	vst v5  }
0x80: {  	s6 =	sadd.s32 $0x13800, s0;
	v18 =	vld [tilespmem:s24+$0x0];
	s30 =	sor.u32 s13, s15;
	[tilespmem:s1+$0x0] =	vst v9  }
0x81: {  	s28 =	sor.u32 s3, s6;
	v12 =	vld.idx.msk [tilespmem:v12+s21+$0x0], $0xffff;
	v5 =	vshll.u32 v13, $0x4;
	[tilespmem:s30+$0x0] =	vst v19  }
0x82: {  	s29 =	sor.u32 s9, s6;
	v8 =	vld.idx.msk [tilespmem:v3+s19+$0x0], $0xffff;
	[tilespmem:s28+$0x0] =	vst v17;
	v5 =	vor.u32 v0, v5  }
0x83: {  	s4 =	sor.u32 s4, s15;
	v9 =	vld.idx.msk [tilespmem:v2+s19+$0x0], $0xffff;
	[tilespmem:s29+$0x0] =	vst v15;
	v6 =	vshll.u32 v11, $0x4  }
0x84: {  	s17 =	sshll.u32 s12, $0x1;
	s13 =	sor.u32 s10, s6;
	s5 =	sor.u32 s14, s15;
	v10 =	vld.idx.msk [tilespmem:v4+s20+$0x0], $0xffff;
	v13 =	vshll.u32 v14, $0x4;
	[tilespmem:s4+$0x0] =	vst v7;
	v7 =	vor.u32 v0, v6  }
0x85: {  	s14 =	sor.u32 s18, s6;
	v11 =	vld.idx.msk [tilespmem:v1+s20+$0x0], $0xffff;
	s4 =	simm.s32 $0x108C0;
	v6 =	vor.u32 v0, v13;
	s1 =	rddreg [dreg:$0x5];
	v13 =	vshll.u32 v18, $0x4  }
.LBB2_3:
0x86: {  	v14 =	vld [tilespmem:s4+$0x0];
	v15 =	vor.u32 v0, v13  }
0x87: {  	s15 =	sadd.s32 $0x14800, s0;
	v13 =	vld.idx.msk [tilespmem:v5+s2+$0x0], $0xffff;
	[tilespmem:s14+$0x0] =	vst v8  }
0x88: {  	s14 =	sor.u32 s9, s15;
	s16 =	sor.u32 s18, s15;
	s24 =	sor.u32 s3, s15;
	v8 =	vld.idx.msk [tilespmem:v3+s20+$0x0], $0xffff;
	[tilespmem:s13+$0x0] =	vst v9  }
0x89: {  	s13 =	sor.u32 s10, s15;
	v9 =	vld.idx.msk [tilespmem:v7+s2+$0x0], $0xffff;
	[tilespmem:s24+$0x0] =	vst v10  }
0x8a: {  	[tilespmem:s14+$0x0] =	vst v11;
	v10 =	vld.idx.msk [tilespmem:v4+s21+$0x0], $0xffff;
	v4 =	vmov v7  }
0x8b: {  	v7 =	vld.idx.msk [tilespmem:v6+s2+$0x0], $0xffff;
	[tilespmem:s5+$0x0] =	vst v12  }
0x8c: {  	s7 =	sadd.s32 $0x40, s7;
	v11 =	vld.idx.msk [tilespmem:v15+s2+$0x0], $0xffff  }
0x8d: {  	s5 =	sadd.s32 $0x12800, s25;
	[tilespmem:s7+$0x0] =	vst v13;
	v12 =	vld.idx.msk [tilespmem:v2+s20+$0x0], $0xffff  }
0x8e: {  	s8 =	sadd.s32 $0x40, s8;
	s0 =	sadd.s32 $0x15800, s0;
	s14 =	sor.u32 s22, s5;
	v16 =	vld.idx.msk [tilespmem:v1+s21+$0x0], $0xffff;
	[tilespmem:s16+$0x0] =	vst v8;
	v1 =	vmov v5  }
0x8f: {  	s3 =	sor.u32 s3, s0;
	s15 =	sand.u32 $0x40, s8;
	s16 =	sand.u32 $0xF80, s8;
	[tilespmem:s14+$0x0] =	vst v9;
	v13 =	vld.idx.msk [tilespmem:v3+s21+$0x0], $0xffff;
	v3 =	vmov v6  }
0x90: {  	s24 =	sor.u32 $0x10, s15;
	s28 =	sor.u32 $0x30, s15;
	s14 =	sadd.s32 $0x10800, s16;
	v6 =	vld.idx.msk [tilespmem:v4+s19+$0x0], $0xffff;
	[tilespmem:s3+$0x0] =	vst v10  }
0x91: {  	s29 =	sor.u32 $0x20, s15;
	s3 =	sor.u32 s24, s14;
	s30 =	sor.u32 s28, s14;
	v10 =	vld.idx.msk [tilespmem:v5+s19+$0x0], $0xffff  }
0x92: {  	s6 =	sor.u32 s26, s5;
	s14 =	sor.u32 s29, s14;
	v17 =	vld [tilespmem:s30+$0x0];
	s30 =	sor.u32 s11, s5  }
0x93: {  	s5 =	sor.u32 s10, s0;
	v18 =	vld [tilespmem:s3+$0x0];
	[tilespmem:s30+$0x0] =	vst v7;
	s30 =	sor.u32 s9, s0  }
0x94: {  	s3 =	sor.u32 s18, s0;
	s0 =	sadd.s32 $0x13800, s25;
	s9 =	smov.u32 s23  }
0x95: {  	p1 =	slt.u32 s8, $0xFC0;
	v19 =	vld [tilespmem:s14+$0x0];
	[tilespmem:s6+$0x0] =	vst v11;
	s6 =	sor.u32 s9, s0  }
.Ltmp2:
0x96: {  	v5 =	vshll.u32 v14, $0x4;
	s14 =	sor.u32 s11, s0;
	s10 =	sor.u32 s22, s0;
	v8 =	vld.idx.msk [tilespmem:v3+s19+$0x0], $0xffff;
	[tilespmem:s13+$0x0] =	vst v12;
	(pc) =	sbr.rel @p1 .LBB2_3-.Ltmp2, $4  }
0x97: {  	v5 =	vor.u32 v0, v5;
	s23 =	smov.u32 s15;
	s13 =	sor.u32 s26, s0;
	s0 =	smov.u32 s25;
	v9 =	vld.idx.msk [tilespmem:v15+s19+$0x0], $0xffff;
	[tilespmem:s10+$0x0] =	vst v6  }
0x98: {  	s18 =	smov.u32 s11;
	s11 =	smov.u32 s24;
	s25 =	smov.u32 s16;
	v6 =	vshll.u32 v17, $0x4;
	[tilespmem:s6+$0x0] =	vst v10;
	v10 =	vld.idx.msk [tilespmem:v4+s20+$0x0], $0xffff  }
0x99: {  	s10 =	smov.u32 s26;
	v12 =	vshll.u32 v18, $0x4;
	v7 =	vor.u32 v0, v6;
	v11 =	vld.idx.msk [tilespmem:v1+s20+$0x0], $0xffff;
	[tilespmem:s3+$0x0] =	vst v13;
	s3 =	smov.u32 s22;
	s22 =	smov.u32 s28  }
0x9a: {  	s4 =	sadd.s32 $0x40, s4;
	s26 =	smov.u32 s29;
	v6 =	vor.u32 v0, v12;
	v13 =	vshll.u32 v19, $0x4;
	[tilespmem:s30+$0x0] =	vst v16;
	v12 =	vld.idx.msk [tilespmem:v2+s21+$0x0], $0xffff;
	v2 =	vmov v15  }
0x9b: {  	_ =	sdelay $0x3  }
0x9c: {  	v13 =	vor.u32 v0, v13;
	[tilespmem:s14+$0x0] =	vst v8;
	s4 =	sadd.s32 $0x14800, s0;
	v51 =	vld.idx.msk [tilespmem:v7+s2+$0x0], $0xffff  }
0x9d: {  	v52 =	vld.idx.msk [tilespmem:v6+s2+$0x0], $0xffff;
	[tilespmem:s13+$0x0] =	vst v9;
	s6 =	sor.u32 s3, s4  }
0x9e: {  	v14 =	vld.idx.msk [tilespmem:v5+s2+$0x0], $0xffff;
	s15 =	sor.u32 s9, s4;
	[tilespmem:s6+$0x0] =	vst v10  }
0x9f: {  	s16 =	sadd.s32 $0x12800, s25;
	v54 =	vld.idx.msk [tilespmem:v3+s20+$0x0], $0xffff;
	[tilespmem:s15+$0x0] =	vst v11  }
0xa0: {  	s24 =	sor.u32 s22, s16;
	v57 =	vld.idx.msk [tilespmem:v2+s20+$0x0], $0xffff;
	[tilespmem:s5+$0x0] =	vst v12  }
0xa1: {  	s28 =	sor.u32 s11, s16;
	v53 =	vld.idx.msk [tilespmem:v13+s2+$0x0], $0xffff;
	[tilespmem:s24+$0x0] =	vst v51  }
0xa2: {  	s29 =	sadd.s32 $0x40, s7;
	[tilespmem:s28+$0x0] =	vst v52;
	v8 =	vld.idx.msk [tilespmem:v7+s19+$0x0], $0xffff  }
0xa3: {  	s6 =	sor.u32 s18, s4;
	v4 =	vld.idx.msk [tilespmem:v4+s21+$0x0], $0xffff;
	[tilespmem:s29+$0x0] =	vst v14  }
0xa4: {  	s24 =	sor.u32 s10, s4;
	v9 =	vld.idx.msk [tilespmem:v6+s19+$0x0], $0xffff;
	[tilespmem:s6+$0x0] =	vst v54  }
0xa5: {  	s8 =	sadd.s32 $0x13800, s25;
	s30 =	sor.u32 s26, s16;
	v1 =	vld.idx.msk [tilespmem:v1+s21+$0x0], $0xffff;
	[tilespmem:s24+$0x0] =	vst v57  }
0xa6: {  	s0 =	sadd.s32 $0x15800, s0;
	s13 =	sor.u32 s22, s8;
	v55 =	vld.idx.msk [tilespmem:v5+s19+$0x0], $0xffff;
	[tilespmem:s30+$0x0] =	vst v53  }
0xa7: {  	s7 =	sor.u32 s3, s0;
	v56 =	vld.idx.msk [tilespmem:v13+s19+$0x0], $0xffff;
	[tilespmem:s13+$0x0] =	vst v8  }
0xa8: {  	s14 =	sor.u32 s11, s8;
	[tilespmem:s7+$0x0] =	vst v4;
	v58 =	vld.idx.msk [tilespmem:v7+s20+$0x0], $0xffff  }
0xa9: {  	v3 =	vld.idx.msk [tilespmem:v3+s21+$0x0], $0xffff;
	s7 =	sor.u32 s9, s0;
	[tilespmem:s14+$0x0] =	vst v9  }
0xaa: {  	s15 =	sor.u32 s23, s8;
	[tilespmem:s7+$0x0] =	vst v1;
	v59 =	vld.idx.msk [tilespmem:v6+s20+$0x0], $0xffff  }
0xab: {  	s16 =	sor.u32 s26, s8;
	s29 =	sadd.s32 $0x14800, s25;
	v2 =	vld.idx.msk [tilespmem:v2+s21+$0x0], $0xffff;
	[tilespmem:s15+$0x0] =	vst v55  }
0xac: {  	s30 =	sor.u32 s22, s29;
	v60 =	vld.idx.msk [tilespmem:v5+s20+$0x0], $0xffff;
	[tilespmem:s16+$0x0] =	vst v56  }
0xad: {  	s28 =	sor.u32 s18, s0;
	v61 =	vld.idx.msk [tilespmem:v13+s20+$0x0], $0xffff;
	[tilespmem:s30+$0x0] =	vst v58  }
0xae: {  	s5 =	sor.u32 s11, s29;
	[tilespmem:s28+$0x0] =	vst v3;
	v3 =	vld.idx.msk [tilespmem:v7+s21+$0x0], $0xffff  }
0xaf: {  	s0 =	sor.u32 s10, s0;
	[tilespmem:s5+$0x0] =	vst v59  }
0xb0: {  	s6 =	sor.u32 s23, s29;
	[tilespmem:s0+$0x0] =	vst v2;
	v62 =	vld.idx.msk [tilespmem:v6+s21+$0x0], $0xffff  }
0xb1: {  	s3 =	sor.u32 s26, s29;
	s9 =	sadd.s32 $0x15800, s25;
	[tilespmem:s6+$0x0] =	vst v60  }
0xb2: {  	s8 =	sshrl.u32 s12, $0x1;
	s10 =	sor.u32 s22, s9;
	v63 =	vld.idx.msk [tilespmem:v5+s21+$0x0], $0xffff;
	[tilespmem:s3+$0x0] =	vst v61  }
0xb3: {  	s13 =	sshll.u32 s12, $0xD;
	s3 =	sor.u32 s1, s8;
	v1 =	vld.idx.msk [tilespmem:v13+s21+$0x0], $0xffff;
	[tilespmem:s10+$0x0] =	vst v3  }
0xb4: {  	s14 =	sor.u32 s11, s9;
	s3 =	sshll.u32 s3, $0xE;
	s15 =	rddreg [dreg:$0xc]  }
0xb5: {  	s18 =	sand.u32 $0x2000, s13;
	[tilespmem:s14+$0x0] =	vst v62;
	s16 =	sadd.s32 s15, s3  }
0xb6: {  	s22 =	sor.u32 s23, s9;
	[dreg:$0x13] =	wrdreg s16;
	s23 =	sor.u32 s18, s16  }
0xb7: {  	s4 =	sor.u32 s26, s9;
	[tilespmem:s22+$0x0] =	vst v63;
	s0 =	sshrl.u32 s23, $0x3  }
0xb8: {  	s24 =	simm.s32 $0x12800;
	[tilespmem:s4+$0x0] =	vst v1;
	s0 =	sadd.s32 s31, s0  }
0xb9: {  	[hbm4b:s0+s2] =	stream.linear.scatter [tilespmem:s24], [sflag:$0x3], $0x1000, $0x38;
	[tilespmem:$0x1A800] =	vst v63  }
0xba: {  	s25 =	rddreg [dreg:$0xd]  }
0xbb: {  	s0 =	sadd.s32 s25, s3  }
0xbc: {  	[dreg:$0x14] =	wrdreg s0;
	s0 =	sor.u32 s18, s0  }
0xbd: {  	s28 =	rddreg [dreg:$0xe];
	s0 =	sshrl.u32 s0, $0x3  }
0xbe: {  	s26 =	simm.s32 $0x13800;
	s10 =	sadd.s32 s28, s3;
	s0 =	sadd.s32 s31, s0  }
0xbf: {  	[hbm4b:s0+s2] =	stream.linear.scatter [tilespmem:s26], [sflag:$0x3], $0x1000, $0x38;
	[tilespmem:$0x1A800] =	vst v63  }
0xc0: {  	s0 =	sor.u32 s18, s10  }
0xc1: {  	p1 =	sne.s32 s12, $0x3F;
	s0 =	sshrl.u32 s0, $0x3  }
0xc2: {  	s29 =	simm.s32 $0x14800;
	s30 =	rddreg [dreg:$0xf];
	s0 =	sadd.s32 s31, s0  }
0xc3: {  	[hbm4b:s0+s2] =	stream.linear.scatter [tilespmem:s29], [sflag:$0x3], $0x1000, $0x38;
	[tilespmem:$0x1A800] =	vst v63  }
.Ltmp3:
0xc4: {  	s22 =	sadd.s32 s30, s3;
	(pc) =	sbr.rel @p1 .LBB2_6-.Ltmp3, $4  }
0xc5: {  	s0 =	sor.u32 s18, s22  }
0xc6: {  	s0 =	sshrl.u32 s0, $0x3  }
0xc7: {  	[dreg:$0x12] =	wrdreg s17;
	s0 =	sadd.s32 s31, s0;
	s31 =	simm.s32 $0x15800  }
0xc8: {  	[hbm4b:s0+s2] =	stream.linear.scatter [tilespmem:s31], [sflag:$0x3], $0x1000, $0x38;
	[tilespmem:$0x1A800] =	vst v63  }
.Ltmp4:
0xc9: {  	(pc) =	sbr.rel .LBB2_7-.Ltmp4, $4  }
0xca: {  	s0 =	simm.s32 $0x2  }
0xcb: {  	_ =	swait.ge [sflag:s0], $0x1000  }
0xcc: {  	[sflag:s0] =	ssyncset.done $0x0  }
0xcd: {  	[sflag:s0] =	ssyncadd.s32 $0xFFFFF000  }
.LBB2_6:
0xce: {  	s0 =	sadd.s32 $0x2, s17  }
0xcf: {  	s3 =	sshrl.u32 s0, $0x2  }
0xd0: {  	s3 =	sadd.s32 s1, s3  }
0xd1: {  	s28 =	rddreg [dreg:$0x4];
	s0 =	sshll.u32 s0, $0xC;
	s3 =	sshll.u32 s3, $0xE  }
0xd2: {  	s0 =	sand.u32 $0x2000, s0;
	s3 =	sadd.s32 s28, s3  }
0xd3: {  	s0 =	sor.u32 s0, s3  }
0xd4: {  	s29 =	rddreg [dreg:$0x3];
	s30 =	simm.s32 $0x10800;
	s0 =	sshrl.u32 s0, $0x3  }
.Ltmp5:
0xd5: {  	s31 =	simm.s32 $0x2;
	s0 =	sadd.s32 s29, s0;
	(pc) =	sbr.rel @p0 .LBB2_8-.Ltmp5, $4  }
0xd6: {  	[tilespmem:s30], [sflag:$0x1] =	stream.linear.gather [hbm4b:s0+s2], $0x1000, $0x38;
	[tilespmem:$0x1A800] =	vst v63  }
0xd7: {  	_ =	swait.ge [sflag:s31], $0x1000  }
0xd8: {  	[sflag:s31] =	ssyncset.done $0x0  }
0xd9: {  	[sflag:s31] =	ssyncadd.s32 $0xFFFFF000  }
.LBB2_7:
0xda: {  	s0 =	simm.s32 $0x4  }
0xdb: {  	_ =	swait.ge [sflag:s0], $0x1000  }
0xdc: {  	[sflag:s0] =	ssyncset.done $0x0  }
0xdd: {  	[sflag:s0] =	ssyncadd.s32 $0xFFFFF000  }
0xde: {  	_ =	swait.ge [sflag:s0], $0x1000  }
0xdf: {  	[sflag:s0] =	ssyncset.done $0x0  }
0xe0: {  	[sflag:s0] =	ssyncadd.s32 $0xFFFFF000  }
0xe1: {  	_ =	swait.ge [sflag:s0], $0x1000  }
0xe2: {  	[sflag:s0] =	ssyncset.done $0x0  }
0xe3: {  	[sflag:s0] =	ssyncadd.s32 $0xFFFFF000  }
0xe4: {  	_ =	swait.ge [sflag:s0], $0x1000  }
0xe5: {  	[sflag:s0] =	ssyncset.done $0x0  }
0xe6: {  	[sflag:s0] =	ssyncadd.s32 $0xFFFFF000  }
.LBB2_8:
0xe7: {  	s0 =	simm.s32 $0x0  }
0xe8: {  	s16 =	sand.u32 $0x40, s0;
	s7 =	sand.u32 $0xF80, s0  }
0xe9: {  	s0 =	sadd.s32 $0x11800, s7;
	s3 =	sor.u32 $0x30, s16  }
0xea: {  	s4 =	sor.u32 s3, s0  }
0xeb: {  	v1 =	vld [tilespmem:s4+$0x0]  }
0xec: {  	s17 =	simm.s32 $0x11800  }
0xed: {  	v2 =	vld [tilespmem:s17+$0x0];
	s5 =	sor.u32 $0x10, s16  }
0xee: {  	s6 =	sor.u32 s5, s0;
	s4 =	sor.u32 $0x20, s16  }
0xef: {  	v3 =	vld [tilespmem:s6+$0x0];
	s0 =	sor.u32 s4, s0  }
0xf0: {  	v4 =	vld [tilespmem:s0+$0x0];
	v1 =	vshll.u32 v1, $0x4  }
0xf1: {  	v5 =	vor.u32 v0, v1  }
0xf2: {  	v1 =	vshll.u32 v2, $0x4  }
0xf3: {  	v6 =	vor.u32 v0, v1  }
0xf4: {  	v1 =	vshll.u32 v3, $0x4  }
0xf5: {  	v7 =	vor.u32 v0, v1;
	v1 =	vshll.u32 v4, $0x4  }
0xf6: {  	v12 =	vor.u32 v0, v1;
	v1 =	vld.idx.msk [tilespmem:v5+s2+$0x0], $0xffff;
	_ =	sdelay $0x1  }
0xf7: {  	s23 =	simm.s32 $0x11840;
	v2 =	vld.idx.msk [tilespmem:v6+s2+$0x0], $0xffff  }
0xf8: {  	s26 =	simm.s32 $0x40;
	s24 =	sadd.s32 $0x16800, s7;
	v3 =	vld [tilespmem:s23+$0x0]  }
0xf9: {  	s8 =	sand.u32 $0xF80, s26;
	s13 =	sor.u32 s3, s24;
	s23 =	sand.u32 $0x40, s26;
	v4 =	vld.idx.msk [tilespmem:v7+s2+$0x0], $0xffff  }
0xfa: {  	s6 =	sadd.s32 $0x11800, s8;
	v8 =	vld.idx.msk [tilespmem:v12+s2+$0x0], $0xffff;
	[tilespmem:s13+$0x0] =	vst v1;
	s13 =	sor.u32 $0x30, s23  }
0xfb: {  	s14 =	simm.s32 $0x16800;
	v9 =	vld.idx.msk [tilespmem:v5+s19+$0x0], $0xffff;
	s15 =	sor.u32 s13, s6  }
0xfc: {  	s26 =	sor.u32 $0x10, s23;
	[tilespmem:s14+$0x0] =	vst v2;
	v2 =	vld [tilespmem:s15+$0x0]  }
0xfd: {  	s25 =	sor.u32 $0x20, s23;
	s30 =	sor.u32 s26, s6;
	v10 =	vld.idx.msk [tilespmem:v6+s19+$0x0], $0xffff  }
0xfe: {  	s31 =	sor.u32 s5, s24;
	v11 =	vld [tilespmem:s30+$0x0];
	s6 =	sor.u32 s25, s6  }
0xff: {  	s1 =	sadd.s32 $0x17800, s7;
	s0 =	sor.u32 s4, s24;
	v1 =	vshll.u32 v3, $0x4;
	[tilespmem:s31+$0x0] =	vst v4;
	v13 =	vld [tilespmem:s6+$0x0]  }
0x100: {  	s9 =	sor.u32 s3, s1;
	v1 =	vor.u32 v0, v1;
	[tilespmem:s0+$0x0] =	vst v8;
	v8 =	vld.idx.msk [tilespmem:v7+s19+$0x0], $0xffff  }
0x101: {  	s11 =	sor.u32 s16, s1;
	v14 =	vld.idx.msk [tilespmem:v12+s19+$0x0], $0xffff;
	[tilespmem:s9+$0x0] =	vst v9;
	v2 =	vshll.u32 v2, $0x4  }
0x102: {  	[tilespmem:s11+$0x0] =	vst v10;
	v9 =	vld.idx.msk [tilespmem:v5+s20+$0x0], $0xffff;
	v4 =	vor.u32 v0, v2  }
0x103: {  	s14 =	simm.s32 $0x11880;
	v10 =	vld.idx.msk [tilespmem:v6+s20+$0x0], $0xffff  }
0x104: {  	s15 =	sor.u32 s5, s1;
	v2 =	vshll.u32 v11, $0x4;
	v11 =	vld [tilespmem:s14+$0x0]  }
0x105: {  	s24 =	sadd.s32 $0x18800, s7;
	[tilespmem:s15+$0x0] =	vst v8;
	v3 =	vor.u32 v0, v2;
	v2 =	vshll.u32 v13, $0x4;
	v13 =	vld.idx.msk [tilespmem:v1+s2+$0x0], $0xffff  }
0x106: {  	s17 =	sor.u32 s3, s24;
	v8 =	vld.idx.msk [tilespmem:v7+s20+$0x0], $0xffff  }
0x107: {  	s30 =	sor.u32 s4, s1;
	[tilespmem:s17+$0x0] =	vst v9;
	v15 =	vld.idx.msk [tilespmem:v4+s2+$0x0], $0xffff  }
0x108: {  	s31 =	sor.u32 s16, s24;
	s15 =	simm.s32 $0x80;
	[tilespmem:s30+$0x0] =	vst v14;
	v2 =	vor.u32 v0, v2;
	v5 =	vld.idx.msk [tilespmem:v5+s21+$0x0], $0xffff  }
0x109: {  	s29 =	sand.u32 $0x40, s15;
	s0 =	sand.u32 $0xF80, s15;
	s30 =	sadd.s32 $0x19800, s7;
	[tilespmem:s31+$0x0] =	vst v10;
	v10 =	vld.idx.msk [tilespmem:v12+s20+$0x0], $0xffff  }
0x10a: {  	s7 =	sor.u32 s3, s30;
	s3 =	sor.u32 $0x10, s29;
	s17 =	sadd.s32 $0x11800, s0;
	v9 =	vld.idx.msk [tilespmem:v3+s2+$0x0], $0xffff  }
0x10b: {  	s31 =	sor.u32 s3, s17;
	v16 =	vld.idx.msk [tilespmem:v6+s21+$0x0], $0xffff  }
0x10c: {  	s1 =	sor.u32 s5, s24;
	s9 =	sadd.s32 $0x16800, s8;
	v17 =	vld [tilespmem:s31+$0x0]  }
0x10d: {  	s28 =	sor.u32 s13, s9;
	[tilespmem:s1+$0x0] =	vst v8;
	v14 =	vld.idx.msk [tilespmem:v2+s2+$0x0], $0xffff  }
0x10e: {  	s14 =	simm.s32 $0x16840;
	v6 =	vld.idx.msk [tilespmem:v7+s21+$0x0], $0xffff;
	[tilespmem:s28+$0x0] =	vst v15;
	s28 =	sor.u32 $0x30, s29  }
0x10f: {  	[tilespmem:s14+$0x0] =	vst v13;
	v7 =	vld.idx.msk [tilespmem:v4+s19+$0x0], $0xffff;
	s1 =	sor.u32 s28, s17  }
0x110: {  	s31 =	sor.u32 s4, s24;
	[tilespmem:s7+$0x0] =	vst v5;
	s7 =	sor.u32 $0x20, s29;
	v15 =	vld [tilespmem:s1+$0x0]  }
0x111: {  	s11 =	sor.u32 s26, s9;
	v13 =	vld.idx.msk [tilespmem:v1+s19+$0x0], $0xffff;
	[tilespmem:s31+$0x0] =	vst v10;
	s17 =	sor.u32 s7, s17  }
0x112: {  	s31 =	sor.u32 s16, s30;
	[tilespmem:s11+$0x0] =	vst v9;
	v18 =	vld [tilespmem:s17+$0x0]  }
0x113: {  	s6 =	sor.u32 s25, s9;
	v5 =	vshll.u32 v11, $0x4;
	[tilespmem:s31+$0x0] =	vst v16;
	v12 =	vld.idx.msk [tilespmem:v12+s21+$0x0], $0xffff;
	s17 =	sadd.s32 $0x17800, s8  }
0x114: {  	v5 =	vor.u32 v0, v5;
	[tilespmem:s6+$0x0] =	vst v14;
	v8 =	vld.idx.msk [tilespmem:v3+s19+$0x0], $0xffff;
	s9 =	sor.u32 s13, s17  }
0x115: {  	s11 =	sor.u32 s23, s17;
	v9 =	vld.idx.msk [tilespmem:v2+s19+$0x0], $0xffff;
	[tilespmem:s9+$0x0] =	vst v7;
	v7 =	vshll.u32 v15, $0x4  }
0x116: {  	s24 =	sor.u32 s5, s30;
	s5 =	sor.u32 s4, s30;
	[tilespmem:s11+$0x0] =	vst v13;
	v13 =	vshll.u32 v17, $0x4;
	v10 =	vld.idx.msk [tilespmem:v4+s20+$0x0], $0xffff;
	v7 =	vor.u32 v0, v7  }
0x117: {  	s4 =	simm.s32 $0x118C0;
	[tilespmem:s24+$0x0] =	vst v6;
	s24 =	sor.u32 s26, s17;
	s16 =	sor.u32 s25, s17;
	v11 =	vld.idx.msk [tilespmem:v1+s20+$0x0], $0xffff;
	v6 =	vor.u32 v0, v13;
	v13 =	vshll.u32 v18, $0x4  }
.LBB2_9:
0x118: {  	v14 =	vld [tilespmem:s4+$0x0];
	v15 =	vor.u32 v0, v13  }
0x119: {  	s1 =	sadd.s32 $0x18800, s8;
	v13 =	vld.idx.msk [tilespmem:v5+s2+$0x0], $0xffff;
	[tilespmem:s24+$0x0] =	vst v8  }
0x11a: {  	s6 =	sor.u32 s23, s1;
	s17 =	sor.u32 s26, s1;
	s24 =	sor.u32 s13, s1;
	v8 =	vld.idx.msk [tilespmem:v3+s20+$0x0], $0xffff;
	[tilespmem:s16+$0x0] =	vst v9  }
0x11b: {  	s16 =	sor.u32 s25, s1;
	v9 =	vld.idx.msk [tilespmem:v7+s2+$0x0], $0xffff;
	[tilespmem:s24+$0x0] =	vst v10  }
0x11c: {  	[tilespmem:s6+$0x0] =	vst v11;
	v10 =	vld.idx.msk [tilespmem:v4+s21+$0x0], $0xffff;
	v4 =	vmov v7  }
0x11d: {  	v7 =	vld.idx.msk [tilespmem:v6+s2+$0x0], $0xffff;
	[tilespmem:s5+$0x0] =	vst v12  }
0x11e: {  	s14 =	sadd.s32 $0x40, s14;
	v11 =	vld.idx.msk [tilespmem:v15+s2+$0x0], $0xffff  }
0x11f: {  	s1 =	sadd.s32 $0x16800, s0;
	[tilespmem:s14+$0x0] =	vst v13;
	v12 =	vld.idx.msk [tilespmem:v2+s20+$0x0], $0xffff  }
0x120: {  	s15 =	sadd.s32 $0x40, s15;
	s6 =	sadd.s32 $0x19800, s8;
	s5 =	sor.u32 s28, s1;
	v16 =	vld.idx.msk [tilespmem:v1+s21+$0x0], $0xffff;
	[tilespmem:s17+$0x0] =	vst v8;
	v1 =	vmov v5  }
0x121: {  	s8 =	sand.u32 $0x40, s15;
	s17 =	sand.u32 $0xF80, s15;
	[tilespmem:s5+$0x0] =	vst v9;
	v13 =	vld.idx.msk [tilespmem:v3+s21+$0x0], $0xffff;
	s5 =	sor.u32 s13, s6;
	v3 =	vmov v6  }
0x122: {  	s30 =	sor.u32 $0x30, s8;
	s13 =	sor.u32 $0x10, s8;
	s24 =	sadd.s32 $0x11800, s17;
	v6 =	vld.idx.msk [tilespmem:v4+s19+$0x0], $0xffff;
	[tilespmem:s5+$0x0] =	vst v10  }
0x123: {  	s31 =	sor.u32 $0x20, s8;
	s5 =	sor.u32 s13, s24;
	s11 =	sor.u32 s30, s24;
	v10 =	vld.idx.msk [tilespmem:v5+s19+$0x0], $0xffff  }
0x124: {  	s24 =	sor.u32 s31, s24;
	v17 =	vld [tilespmem:s11+$0x0];
	s11 =	sor.u32 s3, s1;
	s1 =	sor.u32 s7, s1  }
0x125: {  	s9 =	sor.u32 s26, s6;
	v18 =	vld [tilespmem:s5+$0x0];
	[tilespmem:s11+$0x0] =	vst v7;
	s11 =	sor.u32 s23, s6  }
0x126: {  	s5 =	sor.u32 s25, s6;
	s6 =	sadd.s32 $0x17800, s0;
	s23 =	smov.u32 s29  }
0x127: {  	p0 =	slt.u32 s15, $0xFC0;
	v19 =	vld [tilespmem:s24+$0x0];
	[tilespmem:s1+$0x0] =	vst v11;
	s1 =	sor.u32 s23, s6  }
.Ltmp6:
0x128: {  	v5 =	vshll.u32 v14, $0x4;
	s24 =	sor.u32 s3, s6;
	s25 =	sor.u32 s28, s6;
	v8 =	vld.idx.msk [tilespmem:v3+s19+$0x0], $0xffff;
	[tilespmem:s16+$0x0] =	vst v12;
	(pc) =	sbr.rel @p0 .LBB2_9-.Ltmp6, $4  }
0x129: {  	v5 =	vor.u32 v0, v5;
	s29 =	smov.u32 s8;
	s8 =	smov.u32 s0;
	s16 =	sor.u32 s7, s6;
	v9 =	vld.idx.msk [tilespmem:v15+s19+$0x0], $0xffff;
	[tilespmem:s25+$0x0] =	vst v6  }
0x12a: {  	s26 =	smov.u32 s3;
	s0 =	smov.u32 s17;
	s3 =	smov.u32 s13;
	v6 =	vshll.u32 v17, $0x4;
	[tilespmem:s1+$0x0] =	vst v10;
	v10 =	vld.idx.msk [tilespmem:v4+s20+$0x0], $0xffff  }
0x12b: {  	s13 =	smov.u32 s28;
	s28 =	smov.u32 s30;
	s25 =	smov.u32 s7;
	v12 =	vshll.u32 v18, $0x4;
	v7 =	vor.u32 v0, v6;
	v11 =	vld.idx.msk [tilespmem:v1+s20+$0x0], $0xffff;
	[tilespmem:s9+$0x0] =	vst v13  }
0x12c: {  	s4 =	sadd.s32 $0x40, s4;
	s7 =	smov.u32 s31;
	v6 =	vor.u32 v0, v12;
	v13 =	vshll.u32 v19, $0x4;
	[tilespmem:s11+$0x0] =	vst v16;
	v12 =	vld.idx.msk [tilespmem:v2+s21+$0x0], $0xffff;
	v2 =	vmov v15  }
0x12d: {  	_ =	sdelay $0x3  }
0x12e: {  	v13 =	vor.u32 v0, v13;
	[tilespmem:s24+$0x0] =	vst v8;
	s1 =	sadd.s32 $0x18800, s8;
	v51 =	vld.idx.msk [tilespmem:v7+s2+$0x0], $0xffff  }
0x12f: {  	v52 =	vld.idx.msk [tilespmem:v6+s2+$0x0], $0xffff;
	[tilespmem:s16+$0x0] =	vst v9;
	s4 =	sor.u32 s13, s1  }
0x130: {  	v14 =	vld.idx.msk [tilespmem:v5+s2+$0x0], $0xffff;
	s15 =	sor.u32 s23, s1;
	[tilespmem:s4+$0x0] =	vst v10  }
0x131: {  	s16 =	sadd.s32 $0x16800, s0;
	v54 =	vld.idx.msk [tilespmem:v3+s20+$0x0], $0xffff;
	[tilespmem:s15+$0x0] =	vst v11  }
0x132: {  	s17 =	sor.u32 s28, s16;
	v57 =	vld.idx.msk [tilespmem:v2+s20+$0x0], $0xffff;
	[tilespmem:s5+$0x0] =	vst v12  }
0x133: {  	s24 =	sor.u32 s3, s16;
	v53 =	vld.idx.msk [tilespmem:v13+s2+$0x0], $0xffff;
	[tilespmem:s17+$0x0] =	vst v51  }
0x134: {  	s30 =	sadd.s32 $0x40, s14;
	[tilespmem:s24+$0x0] =	vst v52;
	v8 =	vld.idx.msk [tilespmem:v7+s19+$0x0], $0xffff  }
0x135: {  	s6 =	sor.u32 s26, s1;
	[tilespmem:s30+$0x0] =	vst v14;
	v9 =	vld.idx.msk [tilespmem:v6+s19+$0x0], $0xffff  }
0x136: {  	s1 =	sor.u32 s25, s1;
	v4 =	vld.idx.msk [tilespmem:v4+s21+$0x0], $0xffff;
	[tilespmem:s6+$0x0] =	vst v54  }
0x137: {  	s9 =	sadd.s32 $0x19800, s8;
	s4 =	sor.u32 s7, s16;
	v55 =	vld.idx.msk [tilespmem:v5+s19+$0x0], $0xffff;
	s6 =	sadd.s32 $0x17800, s0;
	[tilespmem:s1+$0x0] =	vst v57  }
0x138: {  	s11 =	sor.u32 s13, s9;
	s13 =	sor.u32 s28, s6;
	v3 =	vld.idx.msk [tilespmem:v3+s21+$0x0], $0xffff;
	[tilespmem:s4+$0x0] =	vst v53  }
0x139: {  	s14 =	sor.u32 s3, s6;
	v56 =	vld.idx.msk [tilespmem:v13+s19+$0x0], $0xffff;
	[tilespmem:s13+$0x0] =	vst v8  }
0x13a: {  	[tilespmem:s14+$0x0] =	vst v9;
	v58 =	vld.idx.msk [tilespmem:v7+s20+$0x0], $0xffff  }
0x13b: {  	s15 =	sor.u32 s29, s6;
	[tilespmem:s11+$0x0] =	vst v4;
	v59 =	vld.idx.msk [tilespmem:v6+s20+$0x0], $0xffff  }
0x13c: {  	v1 =	vld.idx.msk [tilespmem:v1+s21+$0x0], $0xffff;
	s17 =	sor.u32 s26, s9;
	[tilespmem:s15+$0x0] =	vst v55  }
0x13d: {  	s24 =	sadd.s32 $0x18800, s0;
	s16 =	sor.u32 s7, s6;
	v2 =	vld.idx.msk [tilespmem:v2+s21+$0x0], $0xffff;
	[tilespmem:s17+$0x0] =	vst v3  }
0x13e: {  	s26 =	sor.u32 s28, s24;
	v60 =	vld.idx.msk [tilespmem:v5+s20+$0x0], $0xffff;
	[tilespmem:s16+$0x0] =	vst v56  }
0x13f: {  	s30 =	sor.u32 s3, s24;
	v61 =	vld.idx.msk [tilespmem:v13+s20+$0x0], $0xffff;
	[tilespmem:s26+$0x0] =	vst v58  }
0x140: {  	s8 =	sor.u32 s23, s9;
	[tilespmem:s30+$0x0] =	vst v59;
	v3 =	vld.idx.msk [tilespmem:v7+s21+$0x0], $0xffff  }
0x141: {  	s9 =	sor.u32 s25, s9;
	[tilespmem:s8+$0x0] =	vst v1;
	v62 =	vld.idx.msk [tilespmem:v6+s21+$0x0], $0xffff  }
0x142: {  	s6 =	sor.u32 s29, s24;
	[tilespmem:s9+$0x0] =	vst v2  }
0x143: {  	s1 =	sor.u32 s7, s24;
	s11 =	sadd.s32 $0x19800, s0;
	[tilespmem:s6+$0x0] =	vst v60  }
0x144: {  	s13 =	sor.u32 s28, s11;
	v63 =	vld.idx.msk [tilespmem:v5+s21+$0x0], $0xffff;
	[tilespmem:s1+$0x0] =	vst v61  }
0x145: {  	s14 =	sor.u32 s3, s11;
	v1 =	vld.idx.msk [tilespmem:v13+s21+$0x0], $0xffff;
	[tilespmem:s13+$0x0] =	vst v3  }
0x146: {  	[tilespmem:s14+$0x0] =	vst v62  }
0x147: {  	s15 =	sor.u32 $0x1000, s18;
	s4 =	rddreg [dreg:$0x13]  }
0x148: {  	s16 =	sor.u32 s29, s11;
	s4 =	sor.u32 s15, s4  }
0x149: {  	s31 =	rddreg [dreg:$0x1];
	s0 =	sor.u32 s7, s11;
	[tilespmem:s16+$0x0] =	vst v63;
	s17 =	sshrl.u32 s4, $0x3  }
0x14a: {  	s23 =	simm.s32 $0x16800;
	s18 =	sadd.s32 s31, s17;
	[tilespmem:s0+$0x0] =	vst v1  }
0x14b: {  	[hbm4b:s18+s2] =	stream.linear.scatter [tilespmem:s23], [sflag:$0x4], $0x1000, $0x38;
	[tilespmem:$0x1A800] =	vst v63  }
0x14c: {  	s24 =	rddreg [dreg:$0x14]  }
0x14d: {  	s0 =	sor.u32 s15, s24  }
0x14e: {  	s0 =	sshrl.u32 s0, $0x3  }
0x14f: {  	s25 =	simm.s32 $0x17800;
	s26 =	sor.u32 s15, s10;
	s0 =	sadd.s32 s31, s0  }
0x150: {  	[hbm4b:s0+s2] =	stream.linear.scatter [tilespmem:s25], [sflag:$0x4], $0x1000, $0x38;
	[tilespmem:$0x1A800] =	vst v63  }
0x151: {  	s0 =	sshrl.u32 s26, $0x3  }
0x152: {  	p0 =	seq.s32 s12, $0x3F;
	s28 =	simm.s32 $0x18800;
	s0 =	sadd.s32 s31, s0  }
0x153: {  	[hbm4b:s0+s2] =	stream.linear.scatter [tilespmem:s28], [sflag:$0x4], $0x1000, $0x38;
	[tilespmem:$0x1A800] =	vst v63  }
.Ltmp7:
0x154: {  	s29 =	sor.u32 s15, s22;
	(pc) =	sbr.rel @p0 .LBB2_12-.Ltmp7, $4  }
0x155: {  	s0 =	sshrl.u32 s29, $0x3  }
0x156: {  	s30 =	simm.s32 $0x19800;
	s0 =	sadd.s32 s31, s0  }
0x157: {  	[hbm4b:s0+s2] =	stream.linear.scatter [tilespmem:s30], [sflag:$0x4], $0x1000, $0x38;
	[tilespmem:$0x1A800] =	vst v63  }
0x158: {  	s0 =	rddreg [dreg:$0x12]  }
0x159: {  	s0 =	sadd.s32 $0x3, s0  }
0x15a: {  	s3 =	rddreg [dreg:$0x5];
	s1 =	sshrl.u32 s0, $0x2  }
0x15b: {  	s1 =	sadd.s32 s3, s1  }
0x15c: {  	s28 =	rddreg [dreg:$0x4];
	s0 =	sshll.u32 s0, $0xC;
	s1 =	sshll.u32 s1, $0xE  }
.Ltmp8:
0x15d: {  	s0 =	sand.u32 $0x3000, s0;
	s1 =	sadd.s32 s28, s1;
	(pc) =	sbr.rel .LBB2_2-.Ltmp8, $4  }
0x15e: {  	s0 =	sor.u32 s0, s1  }
0x15f: {  	s29 =	rddreg [dreg:$0x3];
	s0 =	sshrl.u32 s0, $0x3  }
0x160: {  	s30 =	simm.s32 $0x11800;
	s12 =	sadd.s32 $0x1, s12;
	s0 =	sadd.s32 s29, s0  }
0x161: {  	[tilespmem:s30], [sflag:$0x2] =	stream.linear.gather [hbm4b:s0+s2], $0x1000, $0x38;
	[tilespmem:$0x1A800] =	vst v63  }
.LBB2_13:
0x162: {  	_ =	sfence.sel $0x180000  }
0x163: {  	[bflag:$0x0] =	sbarrier.arrive $0xFFFF  }
0x164: {  	_ =	strace $0x90000047  }
0x165: {  	s0 =	stileid.u32;
	[bflag:$0x2] =	sbarrier.arrive $0xFFFF  }
0x166: {  	p0 =	sne.s32 s0, $0x0;
	s0 =	rddreg [dreg:$0x2]  }
0x167: {  	s0 =	sadd.s32 @!p0 $0x100000, s0  }
0x168: {  	[sflag:s0] =	ssyncadd.tile.s32 @!p0 $0x1;
	_ =	shalt  }
.Lfunc_end2:
_tile_overlayer_lowered:
.L_overlay_start_2:
0x169: {  	(tag) =	ssettag $0x2  }
0x16a: {  	s0 =	rddreg [dreg:$0x0];
	s2 =	stileid.u32  }
0x16b: {  	s1 =	rddreg [dreg:$0x1];
	p0 =	sne.s32 s2, $0x0  }
0x16c: {  	s3 =	rddreg [dreg:$0x2];
	[bflag:$0x3] =	sbarrier.arrive $0xFFFF;
	s2 =	simm.s32 @!p0 $0x1C05  }
0x16d: {  	[timem:s3], [sflag:s2] =	dma.local @!p0 [hbm:s0], s1  }
0x16e: {  	s0 =	simm.s32 @!p0 $0x5  }
0x16f: {  	_ =	swait.ge @!p0 [sflag:s0], s1  }
0x170: {  	s1 =	ssub.s32 @!p0 $0x0, s1;
	[sflag:s0] =	ssyncset.done @!p0 $0x0  }
0x171: {  	[sflag:s0] =	ssyncadd.s32 @!p0 s1  }
0x172: {  	[bflag:$0x3] =	sbarrier.arrive $0xFFFF  }
0x173: {  	_ =	shalt  }

</sc_bundles>
